<compile_context>
chip_gen: v7x
topology: tpu7x:2x2x1
jax: 0.10.2.dev20260603
libtpu: 0.0.44.dev20260713+nightly
codegen_flags: <defaults>
</compile_context>

<pallas_src>
import functools

import jax
import jax.numpy as jnp
from jax import lax
from jax.experimental import pallas as pl
from jax.experimental.pallas import tpu as pltpu
from jax.experimental.pallas import tpu_sc as plsc

VOCAB = 100000
EMBED = 32
WIN = 20
HDIM = 512
BATCH = 1024
EW = EMBED * WIN
N_IDX = BATCH * WIN
V_BLK = 1024


def _sc_gather(emb, idx_flat):
    info = plsc.get_sparse_core_info()
    nc, ns = info.num_cores, info.num_subcores
    nw = nc * ns
    b_per_w = N_IDX // nw
    mesh = plsc.VectorSubcoreMesh(core_axis_name="c", subcore_axis_name="s")

    @functools.partial(
        pl.kernel,
        mesh=mesh,
        compiler_params=pltpu.CompilerParams(use_tc_tiling_on_sc=False),
        out_type=jax.ShapeDtypeStruct((N_IDX, EMBED), jnp.float32),
        scratch_types=[
            pltpu.VMEM((b_per_w,), jnp.int32),
            pltpu.VMEM((b_per_w, EMBED), jnp.float32),
            pltpu.SemaphoreType.DMA,
        ],
    )
    def gather_kernel(table_hbm, idx_hbm, out_hbm, idx_v, rows_v, sem):
        wid = lax.axis_index("s") * nc + lax.axis_index("c")
        base = wid * b_per_w
        pltpu.sync_copy(idx_hbm.at[pl.ds(base, b_per_w)], idx_v)
        pltpu.async_copy(table_hbm.at[idx_v], rows_v, sem).wait()
        pltpu.sync_copy(rows_v, out_hbm.at[pl.ds(base, b_per_w)])

    return gather_kernel(emb, idx_flat)


def _mlp_body(emb_ref, W1_ref, b1_ref, W2_hbm, Wm_hbm, b2_hbm, bm_hbm,
              out_hbm, h_scr, e_scr):
    def inner(w2_ref, wm_ref, b2_ref, bm_ref, o_ref):
        @pl.when(pl.program_id(0) == 0)
        def _():
            e = emb_ref[...]
            h = lax.dot_general(e, W1_ref[...], (((1,), (1,)), ((), ())),
                                preferred_element_type=jnp.float32)
            h_scr[...] = jnp.tanh(h + b1_ref[...]).astype(jnp.bfloat16)
            e_scr[...] = e.astype(jnp.bfloat16)

        he = jnp.concatenate([h_scr[...], e_scr[...]], axis=1)
        w = jnp.concatenate([w2_ref[...].astype(jnp.bfloat16),
                             wm_ref[...].astype(jnp.bfloat16)], axis=1)
        acc = lax.dot_general(he, w, (((1,), (1,)), ((), ())),
                              preferred_element_type=jnp.float32)
        o_ref[...] = acc + b2_ref[...] + bm_ref[...]

    pltpu.emit_pipeline(
        inner,
        grid=(pl.cdiv(VOCAB, V_BLK),),
        in_specs=[
            pl.BlockSpec((V_BLK, HDIM), lambda i: (i, 0),
                         pipeline_mode=pl.Buffered(buffer_count=3)),
            pl.BlockSpec((V_BLK, EW), lambda i: (i, 0),
                         pipeline_mode=pl.Buffered(buffer_count=3)),
            pl.BlockSpec((1, V_BLK), lambda i: (0, i),
                         pipeline_mode=pl.Buffered(buffer_count=3)),
            pl.BlockSpec((1, V_BLK), lambda i: (0, i),
                         pipeline_mode=pl.Buffered(buffer_count=3)),
        ],
        out_specs=[
            pl.BlockSpec((BATCH, V_BLK), lambda i: (0, i),
                         pipeline_mode=pl.Buffered(buffer_count=2)),
        ],
    )(W2_hbm, Wm_hbm, b2_hbm, bm_hbm, out_hbm)


def _fused_mlp(embedded, W1, b1, W2, b2, Wm, bm):
    return pl.pallas_call(
        _mlp_body,
        in_specs=[
            pl.BlockSpec(memory_space=pltpu.VMEM),
            pl.BlockSpec(memory_space=pltpu.VMEM),
            pl.BlockSpec(memory_space=pltpu.VMEM),
            pl.BlockSpec(memory_space=pl.ANY),
            pl.BlockSpec(memory_space=pl.ANY),
            pl.BlockSpec(memory_space=pl.ANY),
            pl.BlockSpec(memory_space=pl.ANY),
        ],
        out_specs=pl.BlockSpec(memory_space=pl.ANY),
        out_shape=jax.ShapeDtypeStruct((BATCH, VOCAB), jnp.float32),
        scratch_shapes=[pltpu.VMEM((BATCH, HDIM), jnp.bfloat16),
                        pltpu.VMEM((BATCH, EW), jnp.bfloat16)],
    )(embedded, W1, b1.reshape(1, HDIM), W2, Wm,
      b2.reshape(1, VOCAB), bm.reshape(1, VOCAB))


def kernel(x, emb, W1, b1, W2, b2, Wm, bm):
    idx_flat = x.reshape(-1).astype(jnp.int32)
    embedded = _sc_gather(emb, idx_flat).reshape(BATCH, EW)
    return _fused_mlp(embedded, W1, b1, W2, b2, Wm, bm)

# --- scband reference (transcript-rebuilt; emitter-appended) ---
"""Pipeline reference for scband-embedding-module-71975061946748 (READ-ONLY COPY).

The authoritative reference and input builder live on the scoring server;
editing this copy changes nothing except your own understanding.
"""

import jax, jax.numpy as jnp
import numpy as np

VOCAB = 100000
EMBED = 32
WIN = 20
HDIM = 512
BATCH = 1024


def setup_inputs(seed: int = 0) -> dict:
    key = jax.random.key(seed)
    ks = jax.random.split(key, 8)
    x = jax.random.randint(ks[0], (BATCH, WIN), 0, VOCAB, dtype=jnp.int64 if jax.config.jax_enable_x64 else jnp.int32)
    ew = EMBED * WIN
    emb = jax.random.uniform(ks[1], (VOCAB, EMBED), minval=-1.0, maxval=1.0, dtype=jnp.float32)
    W1 = jax.random.uniform(ks[2], (HDIM, ew), minval=-1.0, maxval=1.0, dtype=jnp.float32)
    b1 = jax.random.uniform(ks[3], (HDIM,), minval=-1.0 / np.sqrt(ew), maxval=1.0 / np.sqrt(ew), dtype=jnp.float32)
    W2 = jax.random.uniform(ks[4], (VOCAB, HDIM), minval=-1.0, maxval=1.0, dtype=jnp.float32)
    b2 = jax.random.uniform(ks[5], (VOCAB,), minval=-1.0 / np.sqrt(HDIM), maxval=1.0 / np.sqrt(HDIM), dtype=jnp.float32)
    Wm = jax.random.uniform(ks[6], (VOCAB, ew), minval=-1.0, maxval=1.0, dtype=jnp.float32)
    bm = jax.random.uniform(ks[7], (VOCAB,), minval=-1.0 / np.sqrt(ew), maxval=1.0 / np.sqrt(ew), dtype=jnp.float32)
    return {"x": x, "emb": emb, "W1": W1, "b1": b1, "W2": W2, "b2": b2, "Wm": Wm, "bm": bm}


def reference(x, emb, W1, b1, W2, b2, Wm, bm):
    # embedding lookup + flatten window: [B, WIN, EMBED] -> [B, WIN*EMBED]
    embedded = jnp.take(emb, x, axis=0).reshape(x.shape[0], -1)
    # linear1 + tanh
    net = jnp.tanh(embedded @ W1.T + b1)
    # linear2
    net = net @ W2.T + b2
    # highway / direct connection ("motorway")
    net = net + (embedded @ Wm.T + bm)
    return net

if __name__ == "__main__":
    import jax
    _d = setup_inputs()
    print(jax.jit(kernel)(*tuple(_d.values())))

</pallas_src>

<mosaic_0001>
#map = affine_map<(d0, d1) -> (0, 0)>
#map1 = affine_map<(d0, d1) -> (0)>
module attributes {stable_mosaic.version = 14 : i64} {
  func.func @gather_kernel(%arg0: i32, %arg1: i32, %arg2: memref<100000x32xf32, #tpu.memory_space<hbm>>, %arg3: memref<20480xi32, #tpu.memory_space<hbm>>, %arg4: memref<20480x32xf32, #tpu.memory_space<hbm>>, %arg5: memref<640xi32, #tpu.memory_space<vmem>>, %arg6: memref<640x32xf32, #tpu.memory_space<vmem>>, %arg7: memref<!tpu.dma_semaphore, #tpu.memory_space<semaphore_mem>>) attributes {dimension_semantics = [#tpu.dimension_semantics<core_parallel>, #tpu.dimension_semantics<subcore_parallel>], iteration_bounds = array<i64: 2, 16>, scalar_prefetch = 0 : i64, scratch_operands = 3 : i64, tpu.core_type = #tpu.core_type<sc_vector_subcore>, window_params = [{transform_indices = #map}, {transform_indices = #map1}, {transform_indices = #map}]} {
    %mul3A = arith.constant 2 : i32
    %mul3A_0 = arith.muli %arg1, %mul3A : i32
    %add3A = arith.addi %mul3A_0, %arg0 : i32
    %mul3A_1 = arith.constant 640 : i32
    %mul3A_2 = arith.muli %add3A, %mul3A_1 : i32
    "tpu.region"() ({
      %run_scoped3A = tpu.sem_alloc : memref<!tpu.dma_semaphore, #tpu.memory_space<semaphore_mem>>
      %dma_start3A_7 = tpu.memref_slice %arg3[%mul3A_2] : memref<20480xi32, #tpu.memory_space<hbm>> -> memref<640xi32, #tpu.memory_space<hbm>>
      %dma_start3A_8 = tpu.memref_slice %arg3[%mul3A_2] : memref<20480xi32, #tpu.memory_space<hbm>> -> memref<640xi32, #tpu.memory_space<hbm>>
      tpu.enqueue_dma source(%dma_start3A_8 : memref<640xi32, #tpu.memory_space<hbm>>) target(%arg5 : memref<640xi32, #tpu.memory_space<vmem>>) target_semaphore(%run_scoped3A : memref<!tpu.dma_semaphore, #tpu.memory_space<semaphore_mem>>)
      %dma_wait3A_9 = tpu.memref_slice %arg3[%mul3A_2] : memref<20480xi32, #tpu.memory_space<hbm>> -> memref<640xi32, #tpu.memory_space<hbm>>
      %dma_wait3A_10 = tpu.memref_slice %arg3[%mul3A_2] : memref<20480xi32, #tpu.memory_space<hbm>> -> memref<640xi32, #tpu.memory_space<hbm>>
      tpu.wait_dma2 semaphore(%run_scoped3A : memref<!tpu.dma_semaphore, #tpu.memory_space<semaphore_mem>>) src(%dma_wait3A_10 : memref<640xi32, #tpu.memory_space<hbm>>) dst(%arg5 : memref<640xi32, #tpu.memory_space<vmem>>)
      tpu.yield
    }) : () -> ()
    %dma_start3A = arith.constant 0 : i32
    %dma_start3A_3 = arith.constant 0 : i32
    %dma_start3A_4 = tpu.memref_slice %arg2[%dma_start3A, %dma_start3A_3] : memref<100000x32xf32, #tpu.memory_space<hbm>> -> memref<100000x32xf32, #tpu.memory_space<hbm>>
    tpu.enqueue_indirect_dma source(%dma_start3A_4 : memref<100000x32xf32, #tpu.memory_space<hbm>>) target(%arg6 : memref<640x32xf32, #tpu.memory_space<vmem>>) offsets(%arg5 : memref<640xi32, #tpu.memory_space<vmem>>) semaphore(%arg7 : memref<!tpu.dma_semaphore, #tpu.memory_space<semaphore_mem>>)
    %dma_wait3A = arith.constant 0 : i32
    %dma_wait3A_5 = arith.constant 0 : i32
    %dma_wait3A_6 = tpu.memref_slice %arg2[%dma_wait3A, %dma_wait3A_5] : memref<100000x32xf32, #tpu.memory_space<hbm>> -> memref<100000x32xf32, #tpu.memory_space<hbm>>
    tpu.wait_indirect_dma semaphore(%arg7 : memref<!tpu.dma_semaphore, #tpu.memory_space<semaphore_mem>>) src(%dma_wait3A_6 : memref<100000x32xf32, #tpu.memory_space<hbm>>) dst(%arg6 : memref<640x32xf32, #tpu.memory_space<vmem>>)
    "tpu.region"() ({
      %run_scoped3A = tpu.sem_alloc : memref<!tpu.dma_semaphore, #tpu.memory_space<semaphore_mem>>
      %dma_start3A_7 = arith.constant 0 : i32
      %dma_start3A_8 = tpu.memref_slice %arg4[%mul3A_2, %dma_start3A_7] : memref<20480x32xf32, #tpu.memory_space<hbm>> -> memref<640x32xf32, #tpu.memory_space<hbm>>
      %dma_start3A_9 = arith.constant 0 : i32
      %dma_start3A_10 = tpu.memref_slice %arg4[%mul3A_2, %dma_start3A_9] : memref<20480x32xf32, #tpu.memory_space<hbm>> -> memref<640x32xf32, #tpu.memory_space<hbm>>
      tpu.enqueue_dma source(%arg6 : memref<640x32xf32, #tpu.memory_space<vmem>>) target(%dma_start3A_10 : memref<640x32xf32, #tpu.memory_space<hbm>>) target_semaphore(%run_scoped3A : memref<!tpu.dma_semaphore, #tpu.memory_space<semaphore_mem>>)
      %dma_wait3A_11 = arith.constant 0 : i32
      %dma_wait3A_12 = tpu.memref_slice %arg4[%mul3A_2, %dma_wait3A_11] : memref<20480x32xf32, #tpu.memory_space<hbm>> -> memref<640x32xf32, #tpu.memory_space<hbm>>
      %dma_wait3A_13 = arith.constant 0 : i32
      %dma_wait3A_14 = tpu.memref_slice %arg4[%mul3A_2, %dma_wait3A_13] : memref<20480x32xf32, #tpu.memory_space<hbm>> -> memref<640x32xf32, #tpu.memory_space<hbm>>
      tpu.wait_dma2 semaphore(%run_scoped3A : memref<!tpu.dma_semaphore, #tpu.memory_space<semaphore_mem>>) src(%arg6 : memref<640x32xf32, #tpu.memory_space<vmem>>) dst(%dma_wait3A_14 : memref<640x32xf32, #tpu.memory_space<hbm>>)
      tpu.yield
    }) : () -> ()
    return
  }
}

module attributes {stable_mosaic.version = 14 : i64} {
  func.func @_mlp_body(%arg0: memref<1024x640xf32, #tpu.memory_space<vmem>>, %arg1: memref<512x640xf32, #tpu.memory_space<vmem>>, %arg2: memref<1x512xf32, #tpu.memory_space<vmem>>, %arg3: memref<100000x512xf32, #tpu.memory_space<any>>, %arg4: memref<100000x640xf32, #tpu.memory_space<any>>, %arg5: memref<1x100000xf32, #tpu.memory_space<any>>, %arg6: memref<1x100000xf32, #tpu.memory_space<any>>, %arg7: memref<1024x100000xf32, #tpu.memory_space<any>>, %arg8: memref<1024x512xbf16, #tpu.memory_space<vmem>>, %arg9: memref<1024x640xbf16, #tpu.memory_space<vmem>>) attributes {dimension_semantics = [], scalar_prefetch = 0 : i64, scratch_operands = 2 : i64, tpu.core_type = #tpu.core_type<tc>} {
    "tpu.region"() ({
      %run_scoped3A = memref.alloca() : memref<3x1024x512xf32, #tpu.memory_space<vmem>>
      %run_scoped3A_0 = tpu.sem_alloc : memref<3x!tpu.dma_semaphore, #tpu.memory_space<semaphore_mem>>
      %run_scoped3A_1 = memref.alloca() : memref<3x1024x640xf32, #tpu.memory_space<vmem>>
      %run_scoped3A_2 = tpu.sem_alloc : memref<3x!tpu.dma_semaphore, #tpu.memory_space<semaphore_mem>>
      %run_scoped3A_3 = memref.alloca() : memref<3x1x1024xf32, #tpu.memory_space<vmem>>
      %run_scoped3A_4 = tpu.sem_alloc : memref<3x!tpu.dma_semaphore, #tpu.memory_space<semaphore_mem>>
      %run_scoped3A_5 = memref.alloca() : memref<3x1x1024xf32, #tpu.memory_space<vmem>>
      %run_scoped3A_6 = tpu.sem_alloc : memref<3x!tpu.dma_semaphore, #tpu.memory_space<semaphore_mem>>
      %run_scoped3A_7 = memref.alloca() : memref<2x1024x1024xf32, #tpu.memory_space<vmem>>
      %run_scoped3A_8 = tpu.sem_alloc : memref<2x!tpu.dma_semaphore, #tpu.memory_space<semaphore_mem>>
      %select_n3A = arith.constant true
      %select_n3A_9 = arith.constant 0 : i32
      %select_n3A_10 = arith.constant -1 : i32
      %select_n3A_11 = arith.select %select_n3A, %select_n3A_10, %select_n3A_9 : i32
      %eq3A = arith.constant -1 : i32
      %eq3A_12 = arith.cmpi eq, %select_n3A_11, %eq3A : i32
      %select_n3A_13 = arith.constant 97 : i32
      %select_n3A_14 = arith.select %eq3A_12, %select_n3A_13, %select_n3A_11 : i32
      %add3A = arith.constant 0 : i32
      %add3A_15 = arith.addi %select_n3A_14, %add3A : i32
      %select_n3A_16 = arith.constant true
      %select_n3A_17 = arith.constant 0 : i32
      %select_n3A_18 = arith.constant 1 : i32
      %select_n3A_19 = arith.select %select_n3A_16, %select_n3A_18, %select_n3A_17 : i32
      %eq3A_20 = arith.constant 98 : i32
      %eq3A_21 = arith.cmpi eq, %select_n3A_19, %eq3A_20 : i32
      %select_n3A_22 = arith.constant 0 : i32
      %select_n3A_23 = arith.select %eq3A_21, %select_n3A_22, %select_n3A_19 : i32
      %add3A_24 = arith.constant 0 : i32
      %add3A_25 = arith.addi %select_n3A_23, %add3A_24 : i32
      %add3A_26 = arith.constant 1 : i32
      %add3A_27 = arith.addi %select_n3A_23, %add3A_26 : i32
      %select_n3A_28 = arith.constant true
      %select_n3A_29 = arith.select %select_n3A_28, %add3A_27, %select_n3A_23 : i32
      %eq3A_30 = arith.constant 98 : i32
      %eq3A_31 = arith.cmpi eq, %select_n3A_29, %eq3A_30 : i32
      %select_n3A_32 = arith.constant 0 : i32
      %select_n3A_33 = arith.select %eq3A_31, %select_n3A_32, %select_n3A_29 : i32
      %add3A_34 = arith.constant 0 : i32
      %add3A_35 = arith.addi %select_n3A_33, %add3A_34 : i32
      %add3A_36 = arith.constant 1 : i32
      %add3A_37 = arith.addi %select_n3A_33, %add3A_36 : i32
      %select_n3A_38 = arith.constant true
      %select_n3A_39 = arith.select %select_n3A_38, %add3A_37, %select_n3A_33 : i32
      %eq3A_40 = arith.constant 98 : i32
      %eq3A_41 = arith.cmpi eq, %select_n3A_39, %eq3A_40 : i32
      %select_n3A_42 = arith.constant 0 : i32
      %select_n3A_43 = arith.select %eq3A_41, %select_n3A_42, %select_n3A_39 : i32
      %add3A_44 = arith.constant 0 : i32
      %add3A_45 = arith.addi %select_n3A_43, %add3A_44 : i32
      "tpu.trace_start"() <{level = 10 : i32, message = "ep_initialize_0"}> : () -> ()
      %rem3A = arith.constant 0 : i32
      %rem3A_46 = arith.constant 3 : i32
      %rem3A_47 = arith.remui %rem3A, %rem3A_46 : i32
      %jit3A = arith.constant false
      %jit3A_48 = arith.constant 672 : i32
      %jit3A_49 = arith.constant 1024 : i32
      %select_n3A_50 = arith.select %jit3A, %jit3A_48, %jit3A_49 : i32
      %multiple_of3A = tpu.assume_multiple %select_n3A_50, 8 : i32
      %dma_start3A = tpu.memref_slice %run_scoped3A_0[%rem3A_47] : memref<3x!tpu.dma_semaphore, #tpu.memory_space<semaphore_mem>> -> memref<1x!tpu.dma_semaphore, #tpu.memory_space<semaphore_mem>>
      %dma_start3A_51 = tpu.memref_squeeze %dma_start3A : memref<1x!tpu.dma_semaphore, #tpu.memory_space<semaphore_mem>> -> memref<!tpu.dma_semaphore, #tpu.memory_space<semaphore_mem>>
      %dma_start3A_52 = arith.constant 0 : i32
      %dma_start3A_53 = arith.constant 0 : i32
      %dma_start3A_54 = tpu.memref_slice %run_scoped3A[%rem3A_47, %dma_start3A_52, %dma_start3A_53] <%multiple_of3A> : memref<3x1024x512xf32, #tpu.memory_space<vmem>> -> memref<1x?x512xf32, #tpu.memory_space<vmem>>
      %dma_start3A_55 = tpu.memref_squeeze %dma_start3A_54 : memref<1x?x512xf32, #tpu.memory_space<vmem>> -> memref<?x512xf32, #tpu.memory_space<vmem>>
      %dma_start3A_56 = arith.constant 0 : i32
      %dma_start3A_57 = arith.constant 0 : i32
      %dma_start3A_58 = tpu.memref_slice %arg3[%dma_start3A_56, %dma_start3A_57] <%multiple_of3A> : memref<100000x512xf32, #tpu.memory_space<any>> -> memref<?x512xf32, #tpu.memory_space<any>>
      tpu.enqueue_dma source(%dma_start3A_58 : memref<?x512xf32, #tpu.memory_space<any>>) target(%dma_start3A_55 : memref<?x512xf32, #tpu.memory_space<vmem>>) target_semaphore(%dma_start3A_51 : memref<!tpu.dma_semaphore, #tpu.memory_space<semaphore_mem>>)
      %add3A_59 = arith.constant 0 : i32
      %add3A_60 = arith.constant 1 : i32
      %add3A_61 = arith.addi %add3A_59, %add3A_60 : i32
      %select_n3A_62 = arith.constant true
      %select_n3A_63 = arith.constant 0 : i32
      %select_n3A_64 = arith.select %select_n3A_62, %add3A_61, %select_n3A_63 : i32
      %rem3A_65 = arith.constant 0 : i32
      %rem3A_66 = arith.constant 3 : i32
      %rem3A_67 = arith.remui %rem3A_65, %rem3A_66 : i32
      %jit3A_68 = arith.constant false
      %jit3A_69 = arith.constant 672 : i32
      %jit3A_70 = arith.constant 1024 : i32
      %select_n3A_71 = arith.select %jit3A_68, %jit3A_69, %jit3A_70 : i32
      %multiple_of3A_72 = tpu.assume_multiple %select_n3A_71, 8 : i32
      %dma_start3A_73 = tpu.memref_slice %run_scoped3A_2[%rem3A_67] : memref<3x!tpu.dma_semaphore, #tpu.memory_space<semaphore_mem>> -> memref<1x!tpu.dma_semaphore, #tpu.memory_space<semaphore_mem>>
      %dma_start3A_74 = tpu.memref_squeeze %dma_start3A_73 : memref<1x!tpu.dma_semaphore, #tpu.memory_space<semaphore_mem>> -> memref<!tpu.dma_semaphore, #tpu.memory_space<semaphore_mem>>
      %dma_start3A_75 = arith.constant 0 : i32
      %dma_start3A_76 = arith.constant 0 : i32
      %dma_start3A_77 = tpu.memref_slice %run_scoped3A_1[%rem3A_67, %dma_start3A_75, %dma_start3A_76] <%multiple_of3A_72> : memref<3x1024x640xf32, #tpu.memory_space<vmem>> -> memref<1x?x640xf32, #tpu.memory_space<vmem>>
      %dma_start3A_78 = tpu.memref_squeeze %dma_start3A_77 : memref<1x?x640xf32, #tpu.memory_space<vmem>> -> memref<?x640xf32, #tpu.memory_space<vmem>>
      %dma_start3A_79 = arith.constant 0 : i32
      %dma_start3A_80 = arith.constant 0 : i32
      %dma_start3A_81 = tpu.memref_slice %arg4[%dma_start3A_79, %dma_start3A_80] <%multiple_of3A_72> : memref<100000x640xf32, #tpu.memory_space<any>> -> memref<?x640xf32, #tpu.memory_space<any>>
      tpu.enqueue_dma source(%dma_start3A_81 : memref<?x640xf32, #tpu.memory_space<any>>) target(%dma_start3A_78 : memref<?x640xf32, #tpu.memory_space<vmem>>) target_semaphore(%dma_start3A_74 : memref<!tpu.dma_semaphore, #tpu.memory_space<semaphore_mem>>)
      %add3A_82 = arith.constant 0 : i32
      %add3A_83 = arith.constant 1 : i32
      %add3A_84 = arith.addi %add3A_82, %add3A_83 : i32
      %select_n3A_85 = arith.constant true
      %select_n3A_86 = arith.constant 0 : i32
      %select_n3A_87 = arith.select %select_n3A_85, %add3A_84, %select_n3A_86 : i32
      %rem3A_88 = arith.constant 0 : i32
      %rem3A_89 = arith.constant 3 : i32
      %rem3A_90 = arith.remui %rem3A_88, %rem3A_89 : i32
      %jit3A_91 = arith.constant false
      %jit3A_92 = arith.constant 768 : i32
      %jit3A_93 = arith.constant 1024 : i32
      %select_n3A_94 = arith.select %jit3A_91, %jit3A_92, %jit3A_93 : i32
      %multiple_of3A_95 = tpu.assume_multiple %select_n3A_94, 128 : i32
      %dma_start3A_96 = tpu.memref_slice %run_scoped3A_4[%rem3A_90] : memref<3x!tpu.dma_semaphore, #tpu.memory_space<semaphore_mem>> -> memref<1x!tpu.dma_semaphore, #tpu.memory_space<semaphore_mem>>
      %dma_start3A_97 = tpu.memref_squeeze %dma_start3A_96 : memref<1x!tpu.dma_semaphore, #tpu.memory_space<semaphore_mem>> -> memref<!tpu.dma_semaphore, #tpu.memory_space<semaphore_mem>>
      %dma_start3A_98 = arith.constant 0 : i32
      %dma_start3A_99 = arith.constant 0 : i32
      %dma_start3A_100 = tpu.memref_slice %run_scoped3A_3[%rem3A_90, %dma_start3A_98, %dma_start3A_99] <%multiple_of3A_95> : memref<3x1x1024xf32, #tpu.memory_space<vmem>> -> memref<1x1x?xf32, #tpu.memory_space<vmem>>
      %dma_start3A_101 = tpu.memref_squeeze %dma_start3A_100 : memref<1x1x?xf32, #tpu.memory_space<vmem>> -> memref<1x?xf32, #tpu.memory_space<vmem>>
      %dma_start3A_102 = arith.constant 0 : i32
      %dma_start3A_103 = arith.constant 0 : i32
      %dma_start3A_104 = tpu.memref_slice %arg5[%dma_start3A_102, %dma_start3A_103] <%multiple_of3A_95> : memref<1x100000xf32, #tpu.memory_space<any>> -> memref<1x?xf32, #tpu.memory_space<any>>
      tpu.enqueue_dma source(%dma_start3A_104 : memref<1x?xf32, #tpu.memory_space<any>>) target(%dma_start3A_101 : memref<1x?xf32, #tpu.memory_space<vmem>>) target_semaphore(%dma_start3A_97 : memref<!tpu.dma_semaphore, #tpu.memory_space<semaphore_mem>>)
      %add3A_105 = arith.constant 0 : i32
      %add3A_106 = arith.constant 1 : i32
      %add3A_107 = arith.addi %add3A_105, %add3A_106 : i32
      %select_n3A_108 = arith.constant true
      %select_n3A_109 = arith.constant 0 : i32
      %select_n3A_110 = arith.select %select_n3A_108, %add3A_107, %select_n3A_109 : i32
      %rem3A_111 = arith.constant 0 : i32
      %rem3A_112 = arith.constant 3 : i32
      %rem3A_113 = arith.remui %rem3A_111, %rem3A_112 : i32
      %jit3A_114 = arith.constant false
      %jit3A_115 = arith.constant 768 : i32
      %jit3A_116 = arith.constant 1024 : i32
      %select_n3A_117 = arith.select %jit3A_114, %jit3A_115, %jit3A_116 : i32
      %multiple_of3A_118 = tpu.assume_multiple %select_n3A_117, 128 : i32
      %dma_start3A_119 = tpu.memref_slice %run_scoped3A_6[%rem3A_113] : memref<3x!tpu.dma_semaphore, #tpu.memory_space<semaphore_mem>> -> memref<1x!tpu.dma_semaphore, #tpu.memory_space<semaphore_mem>>
      %dma_start3A_120 = tpu.memref_squeeze %dma_start3A_119 : memref<1x!tpu.dma_semaphore, #tpu.memory_space<semaphore_mem>> -> memref<!tpu.dma_semaphore, #tpu.memory_space<semaphore_mem>>
      %dma_start3A_121 = arith.constant 0 : i32
      %dma_start3A_122 = arith.constant 0 : i32
      %dma_start3A_123 = tpu.memref_slice %run_scoped3A_5[%rem3A_113, %dma_start3A_121, %dma_start3A_122] <%multiple_of3A_118> : memref<3x1x1024xf32, #tpu.memory_space<vmem>> -> memref<1x1x?xf32, #tpu.memory_space<vmem>>
      %dma_start3A_124 = tpu.memref_squeeze %dma_start3A_123 : memref<1x1x?xf32, #tpu.memory_space<vmem>> -> memref<1x?xf32, #tpu.memory_space<vmem>>
      %dma_start3A_125 = arith.constant 0 : i32
      %dma_start3A_126 = arith.constant 0 : i32
      %dma_start3A_127 = tpu.memref_slice %arg6[%dma_start3A_125, %dma_start3A_126] <%multiple_of3A_118> : memref<1x100000xf32, #tpu.memory_space<any>> -> memref<1x?xf32, #tpu.memory_space<any>>
      tpu.enqueue_dma source(%dma_start3A_127 : memref<1x?xf32, #tpu.memory_space<any>>) target(%dma_start3A_124 : memref<1x?xf32, #tpu.memory_space<vmem>>) target_semaphore(%dma_start3A_120 : memref<!tpu.dma_semaphore, #tpu.memory_space<semaphore_mem>>)
      %add3A_128 = arith.constant 0 : i32
      %add3A_129 = arith.constant 1 : i32
      %add3A_130 = arith.addi %add3A_128, %add3A_129 : i32
      %select_n3A_131 = arith.constant true
      %select_n3A_132 = arith.constant 0 : i32
      %select_n3A_133 = arith.select %select_n3A_131, %add3A_130, %select_n3A_132 : i32
      %ne3A = arith.constant 0 : i32
      "tpu.trace_stop"() : () -> ()
      "tpu.trace_start"() <{level = 10 : i32, message = "ep_initialize_1"}> : () -> ()
      %ne3A_134 = arith.cmpi ne, %add3A_25, %ne3A : i32
      %or3A = arith.constant false
      %or3A_135 = arith.ori %or3A, %ne3A_134 : i1
      %or3A_136 = arith.constant false
      %or3A_137 = arith.ori %or3A_135, %or3A_136 : i1
      %and3A = arith.constant true
      %and3A_138 = arith.andi %and3A, %or3A_137 : i1
      %convert_element_type3A = arith.extui %and3A_138 : i1 to i32
      %cond3A = arith.constant 0 : i32
      %cond3A_139 = arith.cmpi ne, %convert_element_type3A, %cond3A : i32
      scf.if %cond3A_139 {
        %rem3A_260 = arith.constant 3 : i32
        %rem3A_261 = arith.remui %select_n3A_64, %rem3A_260 : i32
        %mul3A_262 = arith.constant 1024 : i32
        %mul3A_263 = arith.muli %mul3A_262, %add3A_25 : i32
        %eq3A_264 = arith.constant 97 : i32
        %eq3A_265 = arith.cmpi eq, %add3A_25, %eq3A_264 : i32
        %jit3A_266 = arith.constant 672 : i32
        %jit3A_267 = arith.constant 1024 : i32
        %select_n3A_268 = arith.select %eq3A_265, %jit3A_266, %jit3A_267 : i32
        %multiple_of3A_269 = tpu.assume_multiple %select_n3A_268, 8 : i32
        %mul3A_270 = arith.constant 1024 : i32
        %mul3A_271 = arith.muli %add3A_25, %mul3A_270 : i32
        %dma_start3A_272 = tpu.memref_slice %run_scoped3A_0[%rem3A_261] : memref<3x!tpu.dma_semaphore, #tpu.memory_space<semaphore_mem>> -> memref<1x!tpu.dma_semaphore, #tpu.memory_space<semaphore_mem>>
        %dma_start3A_273 = tpu.memref_squeeze %dma_start3A_272 : memref<1x!tpu.dma_semaphore, #tpu.memory_space<semaphore_mem>> -> memref<!tpu.dma_semaphore, #tpu.memory_space<semaphore_mem>>
        %dma_start3A_274 = arith.constant 0 : i32
        %dma_start3A_275 = arith.constant 0 : i32
        %dma_start3A_276 = tpu.memref_slice %run_scoped3A[%rem3A_261, %dma_start3A_274, %dma_start3A_275] <%multiple_of3A_269> : memref<3x1024x512xf32, #tpu.memory_space<vmem>> -> memref<1x?x512xf32, #tpu.memory_space<vmem>>
        %dma_start3A_277 = tpu.memref_squeeze %dma_start3A_276 : memref<1x?x512xf32, #tpu.memory_space<vmem>> -> memref<?x512xf32, #tpu.memory_space<vmem>>
        %dma_start3A_278 = arith.constant 0 : i32
        %dma_start3A_279 = tpu.memref_slice %arg3[%mul3A_271, %dma_start3A_278] <%multiple_of3A_269> : memref<100000x512xf32, #tpu.memory_space<any>> -> memref<?x512xf32, #tpu.memory_space<any>>
        tpu.enqueue_dma source(%dma_start3A_279 : memref<?x512xf32, #tpu.memory_space<any>>) target(%dma_start3A_277 : memref<?x512xf32, #tpu.memory_space<vmem>>) target_semaphore(%dma_start3A_273 : memref<!tpu.dma_semaphore, #tpu.memory_space<semaphore_mem>>)
      } else {
      }
      %add3A_140 = arith.constant 1 : i32
      %add3A_141 = arith.addi %select_n3A_64, %add3A_140 : i32
      %select_n3A_142 = arith.select %and3A_138, %add3A_141, %select_n3A_64 : i32
      %ne3A_143 = arith.constant 0 : i32
      %ne3A_144 = arith.cmpi ne, %add3A_25, %ne3A_143 : i32
      %or3A_145 = arith.constant false
      %or3A_146 = arith.ori %or3A_145, %ne3A_144 : i1
      %or3A_147 = arith.constant false
      %or3A_148 = arith.ori %or3A_146, %or3A_147 : i1
      %and3A_149 = arith.constant true
      %and3A_150 = arith.andi %and3A_149, %or3A_148 : i1
      %convert_element_type3A_151 = arith.extui %and3A_150 : i1 to i32
      %cond3A_152 = arith.constant 0 : i32
      %cond3A_153 = arith.cmpi ne, %convert_element_type3A_151, %cond3A_152 : i32
      scf.if %cond3A_153 {
        %rem3A_260 = arith.constant 3 : i32
        %rem3A_261 = arith.remui %select_n3A_87, %rem3A_260 : i32
        %mul3A_262 = arith.constant 1024 : i32
        %mul3A_263 = arith.muli %mul3A_262, %add3A_25 : i32
        %eq3A_264 = arith.constant 97 : i32
        %eq3A_265 = arith.cmpi eq, %add3A_25, %eq3A_264 : i32
        %jit3A_266 = arith.constant 672 : i32
        %jit3A_267 = arith.constant 1024 : i32
        %select_n3A_268 = arith.select %eq3A_265, %jit3A_266, %jit3A_267 : i32
        %multiple_of3A_269 = tpu.assume_multiple %select_n3A_268, 8 : i32
        %mul3A_270 = arith.constant 1024 : i32
        %mul3A_271 = arith.muli %add3A_25, %mul3A_270 : i32
        %dma_start3A_272 = tpu.memref_slice %run_scoped3A_2[%rem3A_261] : memref<3x!tpu.dma_semaphore, #tpu.memory_space<semaphore_mem>> -> memref<1x!tpu.dma_semaphore, #tpu.memory_space<semaphore_mem>>
        %dma_start3A_273 = tpu.memref_squeeze %dma_start3A_272 : memref<1x!tpu.dma_semaphore, #tpu.memory_space<semaphore_mem>> -> memref<!tpu.dma_semaphore, #tpu.memory_space<semaphore_mem>>
        %dma_start3A_274 = arith.constant 0 : i32
        %dma_start3A_275 = arith.constant 0 : i32
        %dma_start3A_276 = tpu.memref_slice %run_scoped3A_1[%rem3A_261, %dma_start3A_274, %dma_start3A_275] <%multiple_of3A_269> : memref<3x1024x640xf32, #tpu.memory_space<vmem>> -> memref<1x?x640xf32, #tpu.memory_space<vmem>>
        %dma_start3A_277 = tpu.memref_squeeze %dma_start3A_276 : memref<1x?x640xf32, #tpu.memory_space<vmem>> -> memref<?x640xf32, #tpu.memory_space<vmem>>
        %dma_start3A_278 = arith.constant 0 : i32
        %dma_start3A_279 = tpu.memref_slice %arg4[%mul3A_271, %dma_start3A_278] <%multiple_of3A_269> : memref<100000x640xf32, #tpu.memory_space<any>> -> memref<?x640xf32, #tpu.memory_space<any>>
        tpu.enqueue_dma source(%dma_start3A_279 : memref<?x640xf32, #tpu.memory_space<any>>) target(%dma_start3A_277 : memref<?x640xf32, #tpu.memory_space<vmem>>) target_semaphore(%dma_start3A_273 : memref<!tpu.dma_semaphore, #tpu.memory_space<semaphore_mem>>)
      } else {
      }
      %add3A_154 = arith.constant 1 : i32
      %add3A_155 = arith.addi %select_n3A_87, %add3A_154 : i32
      %select_n3A_156 = arith.select %and3A_150, %add3A_155, %select_n3A_87 : i32
      %ne3A_157 = arith.constant 0 : i32
      %ne3A_158 = arith.cmpi ne, %add3A_25, %ne3A_157 : i32
      %or3A_159 = arith.constant false
      %or3A_160 = arith.ori %or3A_159, %ne3A_158 : i1
      %and3A_161 = arith.constant true
      %and3A_162 = arith.andi %and3A_161, %or3A_160 : i1
      %convert_element_type3A_163 = arith.extui %and3A_162 : i1 to i32
      %cond3A_164 = arith.constant 0 : i32
      %cond3A_165 = arith.cmpi ne, %convert_element_type3A_163, %cond3A_164 : i32
      scf.if %cond3A_165 {
        %rem3A_260 = arith.constant 3 : i32
        %rem3A_261 = arith.remui %select_n3A_110, %rem3A_260 : i32
        %mul3A_262 = arith.constant 1024 : i32
        %mul3A_263 = arith.muli %mul3A_262, %add3A_25 : i32
        %eq3A_264 = arith.constant 97 : i32
        %eq3A_265 = arith.cmpi eq, %add3A_25, %eq3A_264 : i32
        %jit3A_266 = arith.constant 768 : i32
        %jit3A_267 = arith.constant 1024 : i32
        %select_n3A_268 = arith.select %eq3A_265, %jit3A_266, %jit3A_267 : i32
        %multiple_of3A_269 = tpu.assume_multiple %select_n3A_268, 128 : i32
        %mul3A_270 = arith.constant 1024 : i32
        %mul3A_271 = arith.muli %add3A_25, %mul3A_270 : i32
        %dma_start3A_272 = tpu.memref_slice %run_scoped3A_4[%rem3A_261] : memref<3x!tpu.dma_semaphore, #tpu.memory_space<semaphore_mem>> -> memref<1x!tpu.dma_semaphore, #tpu.memory_space<semaphore_mem>>
        %dma_start3A_273 = tpu.memref_squeeze %dma_start3A_272 : memref<1x!tpu.dma_semaphore, #tpu.memory_space<semaphore_mem>> -> memref<!tpu.dma_semaphore, #tpu.memory_space<semaphore_mem>>
        %dma_start3A_274 = arith.constant 0 : i32
        %dma_start3A_275 = arith.constant 0 : i32
        %dma_start3A_276 = tpu.memref_slice %run_scoped3A_3[%rem3A_261, %dma_start3A_274, %dma_start3A_275] <%multiple_of3A_269> : memref<3x1x1024xf32, #tpu.memory_space<vmem>> -> memref<1x1x?xf32, #tpu.memory_space<vmem>>
        %dma_start3A_277 = tpu.memref_squeeze %dma_start3A_276 : memref<1x1x?xf32, #tpu.memory_space<vmem>> -> memref<1x?xf32, #tpu.memory_space<vmem>>
        %dma_start3A_278 = arith.constant 0 : i32
        %dma_start3A_279 = tpu.memref_slice %arg5[%dma_start3A_278, %mul3A_271] <%multiple_of3A_269> : memref<1x100000xf32, #tpu.memory_space<any>> -> memref<1x?xf32, #tpu.memory_space<any>>
        tpu.enqueue_dma source(%dma_start3A_279 : memref<1x?xf32, #tpu.memory_space<any>>) target(%dma_start3A_277 : memref<1x?xf32, #tpu.memory_space<vmem>>) target_semaphore(%dma_start3A_273 : memref<!tpu.dma_semaphore, #tpu.memory_space<semaphore_mem>>)
      } else {
      }
      %add3A_166 = arith.constant 1 : i32
      %add3A_167 = arith.addi %select_n3A_110, %add3A_166 : i32
      %select_n3A_168 = arith.select %and3A_162, %add3A_167, %select_n3A_110 : i32
      %ne3A_169 = arith.constant 0 : i32
      %ne3A_170 = arith.cmpi ne, %add3A_25, %ne3A_169 : i32
      %or3A_171 = arith.constant false
      %or3A_172 = arith.ori %or3A_171, %ne3A_170 : i1
      %and3A_173 = arith.constant true
      %and3A_174 = arith.andi %and3A_173, %or3A_172 : i1
      %convert_element_type3A_175 = arith.extui %and3A_174 : i1 to i32
      %cond3A_176 = arith.constant 0 : i32
      %cond3A_177 = arith.cmpi ne, %convert_element_type3A_175, %cond3A_176 : i32
      scf.if %cond3A_177 {
        %rem3A_260 = arith.constant 3 : i32
        %rem3A_261 = arith.remui %select_n3A_133, %rem3A_260 : i32
        %mul3A_262 = arith.constant 1024 : i32
        %mul3A_263 = arith.muli %mul3A_262, %add3A_25 : i32
        %eq3A_264 = arith.constant 97 : i32
        %eq3A_265 = arith.cmpi eq, %add3A_25, %eq3A_264 : i32
        %jit3A_266 = arith.constant 768 : i32
        %jit3A_267 = arith.constant 1024 : i32
        %select_n3A_268 = arith.select %eq3A_265, %jit3A_266, %jit3A_267 : i32
        %multiple_of3A_269 = tpu.assume_multiple %select_n3A_268, 128 : i32
        %mul3A_270 = arith.constant 1024 : i32
        %mul3A_271 = arith.muli %add3A_25, %mul3A_270 : i32
        %dma_start3A_272 = tpu.memref_slice %run_scoped3A_6[%rem3A_261] : memref<3x!tpu.dma_semaphore, #tpu.memory_space<semaphore_mem>> -> memref<1x!tpu.dma_semaphore, #tpu.memory_space<semaphore_mem>>
        %dma_start3A_273 = tpu.memref_squeeze %dma_start3A_272 : memref<1x!tpu.dma_semaphore, #tpu.memory_space<semaphore_mem>> -> memref<!tpu.dma_semaphore, #tpu.memory_space<semaphore_mem>>
        %dma_start3A_274 = arith.constant 0 : i32
        %dma_start3A_275 = arith.constant 0 : i32
        %dma_start3A_276 = tpu.memref_slice %run_scoped3A_5[%rem3A_261, %dma_start3A_274, %dma_start3A_275] <%multiple_of3A_269> : memref<3x1x1024xf32, #tpu.memory_space<vmem>> -> memref<1x1x?xf32, #tpu.memory_space<vmem>>
        %dma_start3A_277 = tpu.memref_squeeze %dma_start3A_276 : memref<1x1x?xf32, #tpu.memory_space<vmem>> -> memref<1x?xf32, #tpu.memory_space<vmem>>
        %dma_start3A_278 = arith.constant 0 : i32
        %dma_start3A_279 = tpu.memref_slice %arg6[%dma_start3A_278, %mul3A_271] <%multiple_of3A_269> : memref<1x100000xf32, #tpu.memory_space<any>> -> memref<1x?xf32, #tpu.memory_space<any>>
        tpu.enqueue_dma source(%dma_start3A_279 : memref<1x?xf32, #tpu.memory_space<any>>) target(%dma_start3A_277 : memref<1x?xf32, #tpu.memory_space<vmem>>) target_semaphore(%dma_start3A_273 : memref<!tpu.dma_semaphore, #tpu.memory_space<semaphore_mem>>)
      } else {
      }
      %add3A_178 = arith.constant 1 : i32
      %add3A_179 = arith.addi %select_n3A_133, %add3A_178 : i32
      %select_n3A_180 = arith.select %and3A_174, %add3A_179, %select_n3A_133 : i32
      "tpu.trace_stop"() : () -> ()
      %scan3A = arith.constant 0 : i32
      %scan3A_181 = arith.constant 0 : i32
      %scan3A_182 = arith.constant 0 : i32
      %scan3A_183 = arith.constant 0 : i32
      %scan3A_184 = arith.constant 0 : i32
      %scan3A_185 = arith.constant 0 : i32
      %scan3A_186 = arith.constant 0 : i32
      %scan3A_187 = arith.constant 0 : i32
      %scan3A_188 = arith.constant 98 : i32
      %scan3A_189 = arith.addi %scan3A_187, %scan3A_188 : i32
      %scan3A_190 = arith.constant 1 : i32
      %scan3A_191:11 = scf.for %scan3A_260 = %scan3A_187 to %scan3A_189 step %scan3A_190 iter_args(%scan3A_261 = %select_n3A_142, %scan3A_262 = %scan3A, %scan3A_263 = %select_n3A_156, %scan3A_264 = %scan3A_181, %scan3A_265 = %select_n3A_168, %scan3A_266 = %scan3A_182, %scan3A_267 = %select_n3A_180, %scan3A_268 = %scan3A_183, %scan3A_269 = %scan3A_184, %scan3A_270 = %scan3A_185, %scan3A_271 = %scan3A_186) -> (i32, i32, i32, i32, i32, i32, i32, i32, i32, i32, i32)  : i32 {
        %eq3A_272 = arith.constant 0 : i32
        %eq3A_273 = arith.cmpi eq, %scan3A_260, %eq3A_272 : i32
        %eq3A_274 = arith.constant 97 : i32
        %eq3A_275 = arith.cmpi eq, %scan3A_260, %eq3A_274 : i32
        %add3A_276 = arith.constant 0 : i32
        %add3A_277 = arith.addi %scan3A_271, %add3A_276 : i32
        %sub3A_278 = arith.constant 1 : i32
        %sub3A_279 = arith.subi %scan3A_271, %sub3A_278 : i32
        %select_n3A_280 = arith.constant true
        %select_n3A_281 = arith.select %select_n3A_280, %sub3A_279, %scan3A_271 : i32
        %eq3A_282 = arith.constant -1 : i32
        %eq3A_283 = arith.cmpi eq, %select_n3A_281, %eq3A_282 : i32
        %select_n3A_284 = arith.constant 97 : i32
        %select_n3A_285 = arith.select %eq3A_283, %select_n3A_284, %select_n3A_281 : i32
        %add3A_286 = arith.constant 0 : i32
        %add3A_287 = arith.addi %select_n3A_285, %add3A_286 : i32
        %add3A_288 = arith.constant 1 : i32
        %add3A_289 = arith.addi %scan3A_271, %add3A_288 : i32
        %select_n3A_290 = arith.constant true
        %select_n3A_291 = arith.select %select_n3A_290, %add3A_289, %scan3A_271 : i32
        %eq3A_292 = arith.constant 98 : i32
        %eq3A_293 = arith.cmpi eq, %select_n3A_291, %eq3A_292 : i32
        %select_n3A_294 = arith.constant 0 : i32
        %select_n3A_295 = arith.select %eq3A_293, %select_n3A_294, %select_n3A_291 : i32
        %add3A_296 = arith.constant 0 : i32
        %add3A_297 = arith.addi %select_n3A_295, %add3A_296 : i32
        %add3A_298 = arith.constant 1 : i32
        %add3A_299 = arith.addi %select_n3A_295, %add3A_298 : i32
        %select_n3A_300 = arith.constant true
        %select_n3A_301 = arith.select %select_n3A_300, %add3A_299, %select_n3A_295 : i32
        %eq3A_302 = arith.constant 98 : i32
        %eq3A_303 = arith.cmpi eq, %select_n3A_301, %eq3A_302 : i32
        %select_n3A_304 = arith.constant 0 : i32
        %select_n3A_305 = arith.select %eq3A_303, %select_n3A_304, %select_n3A_301 : i32
        %add3A_306 = arith.constant 0 : i32
        %add3A_307 = arith.addi %select_n3A_305, %add3A_306 : i32
        %add3A_308 = arith.constant 1 : i32
        %add3A_309 = arith.addi %select_n3A_305, %add3A_308 : i32
        %select_n3A_310 = arith.constant true
        %select_n3A_311 = arith.select %select_n3A_310, %add3A_309, %select_n3A_305 : i32
        %eq3A_312 = arith.constant 98 : i32
        %eq3A_313 = arith.cmpi eq, %select_n3A_311, %eq3A_312 : i32
        %select_n3A_314 = arith.constant 0 : i32
        %select_n3A_315 = arith.select %eq3A_313, %select_n3A_314, %select_n3A_311 : i32
        %add3A_316 = arith.constant 0 : i32
        %add3A_317 = arith.addi %select_n3A_315, %add3A_316 : i32
        %ne3A_318 = arith.cmpi ne, %add3A_297, %add3A_307 : i32
        %or3A_319 = arith.constant false
        %or3A_320 = arith.ori %or3A_319, %ne3A_318 : i1
        %or3A_321 = arith.constant false
        %or3A_322 = arith.ori %or3A_320, %or3A_321 : i1
        %ge3A = arith.constant 96 : i32
        %ge3A_323 = arith.cmpi sge, %scan3A_260, %ge3A : i32
        %not3A = arith.constant true
        %not3A_324 = arith.xori %ge3A_323, %not3A : i1
        %and3A_325 = arith.andi %or3A_322, %not3A_324 : i1
        %convert_element_type3A_326 = arith.extui %and3A_325 : i1 to i32
        %cond3A_327 = arith.constant 0 : i32
        %cond3A_328 = arith.cmpi ne, %convert_element_type3A_326, %cond3A_327 : i32
        scf.if %cond3A_328 {
          "tpu.trace_start"() <{level = 10 : i32, message = "ep_copy_in"}> : () -> ()
          %rem3A_638 = arith.constant 3 : i32
          %rem3A_639 = arith.remui %scan3A_261, %rem3A_638 : i32
          %mul3A_640 = arith.constant 1024 : i32
          %mul3A_641 = arith.muli %mul3A_640, %add3A_307 : i32
          %eq3A_642 = arith.constant 97 : i32
          %eq3A_643 = arith.cmpi eq, %add3A_307, %eq3A_642 : i32
          %jit3A_644 = arith.constant 672 : i32
          %jit3A_645 = arith.constant 1024 : i32
          %select_n3A_646 = arith.select %eq3A_643, %jit3A_644, %jit3A_645 : i32
          %multiple_of3A_647 = tpu.assume_multiple %select_n3A_646, 8 : i32
          %mul3A_648 = arith.constant 1024 : i32
          %mul3A_649 = arith.muli %add3A_307, %mul3A_648 : i32
          %dma_start3A_650 = tpu.memref_slice %run_scoped3A_0[%rem3A_639] : memref<3x!tpu.dma_semaphore, #tpu.memory_space<semaphore_mem>> -> memref<1x!tpu.dma_semaphore, #tpu.memory_space<semaphore_mem>>
          %dma_start3A_651 = tpu.memref_squeeze %dma_start3A_650 : memref<1x!tpu.dma_semaphore, #tpu.memory_space<semaphore_mem>> -> memref<!tpu.dma_semaphore, #tpu.memory_space<semaphore_mem>>
          %dma_start3A_652 = arith.constant 0 : i32
          %dma_start3A_653 = arith.constant 0 : i32
          %dma_start3A_654 = tpu.memref_slice %run_scoped3A[%rem3A_639, %dma_start3A_652, %dma_start3A_653] <%multiple_of3A_647> : memref<3x1024x512xf32, #tpu.memory_space<vmem>> -> memref<1x?x512xf32, #tpu.memory_space<vmem>>
          %dma_start3A_655 = tpu.memref_squeeze %dma_start3A_654 : memref<1x?x512xf32, #tpu.memory_space<vmem>> -> memref<?x512xf32, #tpu.memory_space<vmem>>
          %dma_start3A_656 = arith.constant 0 : i32
          %dma_start3A_657 = tpu.memref_slice %arg3[%mul3A_649, %dma_start3A_656] <%multiple_of3A_647> : memref<100000x512xf32, #tpu.memory_space<any>> -> memref<?x512xf32, #tpu.memory_space<any>>
          tpu.enqueue_dma source(%dma_start3A_657 : memref<?x512xf32, #tpu.memory_space<any>>) target(%dma_start3A_655 : memref<?x512xf32, #tpu.memory_space<vmem>>) target_semaphore(%dma_start3A_651 : memref<!tpu.dma_semaphore, #tpu.memory_space<semaphore_mem>>)
          "tpu.trace_stop"() : () -> ()
        } else {
        }
        %and3A_329 = arith.constant true
        %and3A_330 = arith.andi %and3A_325, %and3A_329 : i1
        %add3A_331 = arith.constant 1 : i32
        %add3A_332 = arith.addi %scan3A_261, %add3A_331 : i32
        %select_n3A_333 = arith.select %and3A_330, %add3A_332, %scan3A_261 : i32
        %ne3A_334 = arith.cmpi ne, %add3A_297, %add3A_307 : i32
        %or3A_335 = arith.constant false
        %or3A_336 = arith.ori %or3A_335, %ne3A_334 : i1
        %or3A_337 = arith.constant false
        %or3A_338 = arith.ori %or3A_336, %or3A_337 : i1
        %ge3A_339 = arith.constant 96 : i32
        %ge3A_340 = arith.cmpi sge, %scan3A_260, %ge3A_339 : i32
        %not3A_341 = arith.constant true
        %not3A_342 = arith.xori %ge3A_340, %not3A_341 : i1
        %and3A_343 = arith.andi %or3A_338, %not3A_342 : i1
        %convert_element_type3A_344 = arith.extui %and3A_343 : i1 to i32
        %cond3A_345 = arith.constant 0 : i32
        %cond3A_346 = arith.cmpi ne, %convert_element_type3A_344, %cond3A_345 : i32
        scf.if %cond3A_346 {
          "tpu.trace_start"() <{level = 10 : i32, message = "ep_copy_in"}> : () -> ()
          %rem3A_638 = arith.constant 3 : i32
          %rem3A_639 = arith.remui %scan3A_263, %rem3A_638 : i32
          %mul3A_640 = arith.constant 1024 : i32
          %mul3A_641 = arith.muli %mul3A_640, %add3A_307 : i32
          %eq3A_642 = arith.constant 97 : i32
          %eq3A_643 = arith.cmpi eq, %add3A_307, %eq3A_642 : i32
          %jit3A_644 = arith.constant 672 : i32
          %jit3A_645 = arith.constant 1024 : i32
          %select_n3A_646 = arith.select %eq3A_643, %jit3A_644, %jit3A_645 : i32
          %multiple_of3A_647 = tpu.assume_multiple %select_n3A_646, 8 : i32
          %mul3A_648 = arith.constant 1024 : i32
          %mul3A_649 = arith.muli %add3A_307, %mul3A_648 : i32
          %dma_start3A_650 = tpu.memref_slice %run_scoped3A_2[%rem3A_639] : memref<3x!tpu.dma_semaphore, #tpu.memory_space<semaphore_mem>> -> memref<1x!tpu.dma_semaphore, #tpu.memory_space<semaphore_mem>>
          %dma_start3A_651 = tpu.memref_squeeze %dma_start3A_650 : memref<1x!tpu.dma_semaphore, #tpu.memory_space<semaphore_mem>> -> memref<!tpu.dma_semaphore, #tpu.memory_space<semaphore_mem>>
          %dma_start3A_652 = arith.constant 0 : i32
          %dma_start3A_653 = arith.constant 0 : i32
          %dma_start3A_654 = tpu.memref_slice %run_scoped3A_1[%rem3A_639, %dma_start3A_652, %dma_start3A_653] <%multiple_of3A_647> : memref<3x1024x640xf32, #tpu.memory_space<vmem>> -> memref<1x?x640xf32, #tpu.memory_space<vmem>>
          %dma_start3A_655 = tpu.memref_squeeze %dma_start3A_654 : memref<1x?x640xf32, #tpu.memory_space<vmem>> -> memref<?x640xf32, #tpu.memory_space<vmem>>
          %dma_start3A_656 = arith.constant 0 : i32
          %dma_start3A_657 = tpu.memref_slice %arg4[%mul3A_649, %dma_start3A_656] <%multiple_of3A_647> : memref<100000x640xf32, #tpu.memory_space<any>> -> memref<?x640xf32, #tpu.memory_space<any>>
          tpu.enqueue_dma source(%dma_start3A_657 : memref<?x640xf32, #tpu.memory_space<any>>) target(%dma_start3A_655 : memref<?x640xf32, #tpu.memory_space<vmem>>) target_semaphore(%dma_start3A_651 : memref<!tpu.dma_semaphore, #tpu.memory_space<semaphore_mem>>)
          "tpu.trace_stop"() : () -> ()
        } else {
        }
        %and3A_347 = arith.constant true
        %and3A_348 = arith.andi %and3A_343, %and3A_347 : i1
        %add3A_349 = arith.constant 1 : i32
        %add3A_350 = arith.addi %scan3A_263, %add3A_349 : i32
        %select_n3A_351 = arith.select %and3A_348, %add3A_350, %scan3A_263 : i32
        %ne3A_352 = arith.cmpi ne, %add3A_297, %add3A_307 : i32
        %or3A_353 = arith.constant false
        %or3A_354 = arith.ori %or3A_353, %ne3A_352 : i1
        %ge3A_355 = arith.constant 96 : i32
        %ge3A_356 = arith.cmpi sge, %scan3A_260, %ge3A_355 : i32
        %not3A_357 = arith.constant true
        %not3A_358 = arith.xori %ge3A_356, %not3A_357 : i1
        %and3A_359 = arith.andi %or3A_354, %not3A_358 : i1
        %convert_element_type3A_360 = arith.extui %and3A_359 : i1 to i32
        %cond3A_361 = arith.constant 0 : i32
        %cond3A_362 = arith.cmpi ne, %convert_element_type3A_360, %cond3A_361 : i32
        scf.if %cond3A_362 {
          "tpu.trace_start"() <{level = 10 : i32, message = "ep_copy_in"}> : () -> ()
          %rem3A_638 = arith.constant 3 : i32
          %rem3A_639 = arith.remui %scan3A_265, %rem3A_638 : i32
          %mul3A_640 = arith.constant 1024 : i32
          %mul3A_641 = arith.muli %mul3A_640, %add3A_307 : i32
          %eq3A_642 = arith.constant 97 : i32
          %eq3A_643 = arith.cmpi eq, %add3A_307, %eq3A_642 : i32
          %jit3A_644 = arith.constant 768 : i32
          %jit3A_645 = arith.constant 1024 : i32
          %select_n3A_646 = arith.select %eq3A_643, %jit3A_644, %jit3A_645 : i32
          %multiple_of3A_647 = tpu.assume_multiple %select_n3A_646, 128 : i32
          %mul3A_648 = arith.constant 1024 : i32
          %mul3A_649 = arith.muli %add3A_307, %mul3A_648 : i32
          %dma_start3A_650 = tpu.memref_slice %run_scoped3A_4[%rem3A_639] : memref<3x!tpu.dma_semaphore, #tpu.memory_space<semaphore_mem>> -> memref<1x!tpu.dma_semaphore, #tpu.memory_space<semaphore_mem>>
          %dma_start3A_651 = tpu.memref_squeeze %dma_start3A_650 : memref<1x!tpu.dma_semaphore, #tpu.memory_space<semaphore_mem>> -> memref<!tpu.dma_semaphore, #tpu.memory_space<semaphore_mem>>
          %dma_start3A_652 = arith.constant 0 : i32
          %dma_start3A_653 = arith.constant 0 : i32
          %dma_start3A_654 = tpu.memref_slice %run_scoped3A_3[%rem3A_639, %dma_start3A_652, %dma_start3A_653] <%multiple_of3A_647> : memref<3x1x1024xf32, #tpu.memory_space<vmem>> -> memref<1x1x?xf32, #tpu.memory_space<vmem>>
          %dma_start3A_655 = tpu.memref_squeeze %dma_start3A_654 : memref<1x1x?xf32, #tpu.memory_space<vmem>> -> memref<1x?xf32, #tpu.memory_space<vmem>>
          %dma_start3A_656 = arith.constant 0 : i32
          %dma_start3A_657 = tpu.memref_slice %arg5[%dma_start3A_656, %mul3A_649] <%multiple_of3A_647> : memref<1x100000xf32, #tpu.memory_space<any>> -> memref<1x?xf32, #tpu.memory_space<any>>
          tpu.enqueue_dma source(%dma_start3A_657 : memref<1x?xf32, #tpu.memory_space<any>>) target(%dma_start3A_655 : memref<1x?xf32, #tpu.memory_space<vmem>>) target_semaphore(%dma_start3A_651 : memref<!tpu.dma_semaphore, #tpu.memory_space<semaphore_mem>>)
          "tpu.trace_stop"() : () -> ()
        } else {
        }
        %and3A_363 = arith.constant true
        %and3A_364 = arith.andi %and3A_359, %and3A_363 : i1
        %add3A_365 = arith.constant 1 : i32
        %add3A_366 = arith.addi %scan3A_265, %add3A_365 : i32
        %select_n3A_367 = arith.select %and3A_364, %add3A_366, %scan3A_265 : i32
        %ne3A_368 = arith.cmpi ne, %add3A_297, %add3A_307 : i32
        %or3A_369 = arith.constant false
        %or3A_370 = arith.ori %or3A_369, %ne3A_368 : i1
        %ge3A_371 = arith.constant 96 : i32
        %ge3A_372 = arith.cmpi sge, %scan3A_260, %ge3A_371 : i32
        %not3A_373 = arith.constant true
        %not3A_374 = arith.xori %ge3A_372, %not3A_373 : i1
        %and3A_375 = arith.andi %or3A_370, %not3A_374 : i1
        %convert_element_type3A_376 = arith.extui %and3A_375 : i1 to i32
        %cond3A_377 = arith.constant 0 : i32
        %cond3A_378 = arith.cmpi ne, %convert_element_type3A_376, %cond3A_377 : i32
        scf.if %cond3A_378 {
          "tpu.trace_start"() <{level = 10 : i32, message = "ep_copy_in"}> : () -> ()
          %rem3A_638 = arith.constant 3 : i32
          %rem3A_639 = arith.remui %scan3A_267, %rem3A_638 : i32
          %mul3A_640 = arith.constant 1024 : i32
          %mul3A_641 = arith.muli %mul3A_640, %add3A_307 : i32
          %eq3A_642 = arith.constant 97 : i32
          %eq3A_643 = arith.cmpi eq, %add3A_307, %eq3A_642 : i32
          %jit3A_644 = arith.constant 768 : i32
          %jit3A_645 = arith.constant 1024 : i32
          %select_n3A_646 = arith.select %eq3A_643, %jit3A_644, %jit3A_645 : i32
          %multiple_of3A_647 = tpu.assume_multiple %select_n3A_646, 128 : i32
          %mul3A_648 = arith.constant 1024 : i32
          %mul3A_649 = arith.muli %add3A_307, %mul3A_648 : i32
          %dma_start3A_650 = tpu.memref_slice %run_scoped3A_6[%rem3A_639] : memref<3x!tpu.dma_semaphore, #tpu.memory_space<semaphore_mem>> -> memref<1x!tpu.dma_semaphore, #tpu.memory_space<semaphore_mem>>
          %dma_start3A_651 = tpu.memref_squeeze %dma_start3A_650 : memref<1x!tpu.dma_semaphore, #tpu.memory_space<semaphore_mem>> -> memref<!tpu.dma_semaphore, #tpu.memory_space<semaphore_mem>>
          %dma_start3A_652 = arith.constant 0 : i32
          %dma_start3A_653 = arith.constant 0 : i32
          %dma_start3A_654 = tpu.memref_slice %run_scoped3A_5[%rem3A_639, %dma_start3A_652, %dma_start3A_653] <%multiple_of3A_647> : memref<3x1x1024xf32, #tpu.memory_space<vmem>> -> memref<1x1x?xf32, #tpu.memory_space<vmem>>
          %dma_start3A_655 = tpu.memref_squeeze %dma_start3A_654 : memref<1x1x?xf32, #tpu.memory_space<vmem>> -> memref<1x?xf32, #tpu.memory_space<vmem>>
          %dma_start3A_656 = arith.constant 0 : i32
          %dma_start3A_657 = tpu.memref_slice %arg6[%dma_start3A_656, %mul3A_649] <%multiple_of3A_647> : memref<1x100000xf32, #tpu.memory_space<any>> -> memref<1x?xf32, #tpu.memory_space<any>>
          tpu.enqueue_dma source(%dma_start3A_657 : memref<1x?xf32, #tpu.memory_space<any>>) target(%dma_start3A_655 : memref<1x?xf32, #tpu.memory_space<vmem>>) target_semaphore(%dma_start3A_651 : memref<!tpu.dma_semaphore, #tpu.memory_space<semaphore_mem>>)
          "tpu.trace_stop"() : () -> ()
        } else {
        }
        %and3A_379 = arith.constant true
        %and3A_380 = arith.andi %and3A_375, %and3A_379 : i1
        %add3A_381 = arith.constant 1 : i32
        %add3A_382 = arith.addi %scan3A_267, %add3A_381 : i32
        %select_n3A_383 = arith.select %and3A_380, %add3A_382, %scan3A_267 : i32
        %ne3A_384 = arith.cmpi ne, %add3A_277, %add3A_297 : i32
        %or3A_385 = arith.constant false
        %or3A_386 = arith.ori %or3A_385, %ne3A_384 : i1
        %ge3A_387 = arith.constant 97 : i32
        %ge3A_388 = arith.cmpi sge, %scan3A_260, %ge3A_387 : i32
        %not3A_389 = arith.constant true
        %not3A_390 = arith.xori %ge3A_388, %not3A_389 : i1
        %and3A_391 = arith.andi %or3A_386, %not3A_390 : i1
        %ne3A_392 = arith.cmpi ne, %add3A_277, %add3A_287 : i32
        %or3A_393 = arith.constant false
        %or3A_394 = arith.ori %or3A_393, %ne3A_392 : i1
        %or3A_395 = arith.constant false
        %or3A_396 = arith.ori %or3A_394, %or3A_395 : i1
        %or3A_397 = arith.ori %or3A_396, %eq3A_273 : i1
        %convert_element_type3A_398 = arith.extui %or3A_397 : i1 to i32
        %cond3A_399 = arith.constant 0 : i32
        %cond3A_400 = arith.cmpi ne, %convert_element_type3A_398, %cond3A_399 : i32
        scf.if %cond3A_400 {
          "tpu.trace_start"() <{level = 10 : i32, message = "ep_wait_in"}> : () -> ()
          %mul3A_638 = arith.constant 1024 : i32
          %mul3A_639 = arith.muli %mul3A_638, %add3A_277 : i32
          %eq3A_640 = arith.constant 97 : i32
          %eq3A_641 = arith.cmpi eq, %add3A_277, %eq3A_640 : i32
          %jit3A_642 = arith.constant 672 : i32
          %jit3A_643 = arith.constant 1024 : i32
          %select_n3A_644 = arith.select %eq3A_641, %jit3A_642, %jit3A_643 : i32
          %multiple_of3A_645 = tpu.assume_multiple %select_n3A_644, 8 : i32
          %mul3A_646 = arith.constant 1024 : i32
          %mul3A_647 = arith.muli %add3A_277, %mul3A_646 : i32
          %rem3A_648 = arith.constant 3 : i32
          %rem3A_649 = arith.remui %scan3A_262, %rem3A_648 : i32
          %dma_wait3A_650 = tpu.memref_slice %run_scoped3A_0[%rem3A_649] : memref<3x!tpu.dma_semaphore, #tpu.memory_space<semaphore_mem>> -> memref<1x!tpu.dma_semaphore, #tpu.memory_space<semaphore_mem>>
          %dma_wait3A_651 = tpu.memref_squeeze %dma_wait3A_650 : memref<1x!tpu.dma_semaphore, #tpu.memory_space<semaphore_mem>> -> memref<!tpu.dma_semaphore, #tpu.memory_space<semaphore_mem>>
          %dma_wait3A_652 = arith.constant 0 : i32
          %dma_wait3A_653 = arith.constant 0 : i32
          %dma_wait3A_654 = tpu.memref_slice %run_scoped3A[%rem3A_649, %dma_wait3A_652, %dma_wait3A_653] <%multiple_of3A_645> : memref<3x1024x512xf32, #tpu.memory_space<vmem>> -> memref<1x?x512xf32, #tpu.memory_space<vmem>>
          %dma_wait3A_655 = tpu.memref_squeeze %dma_wait3A_654 : memref<1x?x512xf32, #tpu.memory_space<vmem>> -> memref<?x512xf32, #tpu.memory_space<vmem>>
          %dma_wait3A_656 = arith.constant 0 : i32
          %dma_wait3A_657 = tpu.memref_slice %arg3[%mul3A_647, %dma_wait3A_656] <%multiple_of3A_645> : memref<100000x512xf32, #tpu.memory_space<any>> -> memref<?x512xf32, #tpu.memory_space<any>>
          tpu.wait_dma2 semaphore(%dma_wait3A_651 : memref<!tpu.dma_semaphore, #tpu.memory_space<semaphore_mem>>) src(%dma_wait3A_657 : memref<?x512xf32, #tpu.memory_space<any>>) dst(%dma_wait3A_655 : memref<?x512xf32, #tpu.memory_space<vmem>>)
          "tpu.trace_stop"() : () -> ()
        } else {
        }
        %ne3A_401 = arith.cmpi ne, %add3A_277, %add3A_287 : i32
        %or3A_402 = arith.constant false
        %or3A_403 = arith.ori %or3A_402, %ne3A_401 : i1
        %or3A_404 = arith.constant false
        %or3A_405 = arith.ori %or3A_403, %or3A_404 : i1
        %or3A_406 = arith.ori %or3A_405, %eq3A_273 : i1
        %convert_element_type3A_407 = arith.extui %or3A_406 : i1 to i32
        %cond3A_408 = arith.constant 0 : i32
        %cond3A_409 = arith.cmpi ne, %convert_element_type3A_407, %cond3A_408 : i32
        scf.if %cond3A_409 {
          "tpu.trace_start"() <{level = 10 : i32, message = "ep_wait_in"}> : () -> ()
          %mul3A_638 = arith.constant 1024 : i32
          %mul3A_639 = arith.muli %mul3A_638, %add3A_277 : i32
          %eq3A_640 = arith.constant 97 : i32
          %eq3A_641 = arith.cmpi eq, %add3A_277, %eq3A_640 : i32
          %jit3A_642 = arith.constant 672 : i32
          %jit3A_643 = arith.constant 1024 : i32
          %select_n3A_644 = arith.select %eq3A_641, %jit3A_642, %jit3A_643 : i32
          %multiple_of3A_645 = tpu.assume_multiple %select_n3A_644, 8 : i32
          %mul3A_646 = arith.constant 1024 : i32
          %mul3A_647 = arith.muli %add3A_277, %mul3A_646 : i32
          %rem3A_648 = arith.constant 3 : i32
          %rem3A_649 = arith.remui %scan3A_264, %rem3A_648 : i32
          %dma_wait3A_650 = tpu.memref_slice %run_scoped3A_2[%rem3A_649] : memref<3x!tpu.dma_semaphore, #tpu.memory_space<semaphore_mem>> -> memref<1x!tpu.dma_semaphore, #tpu.memory_space<semaphore_mem>>
          %dma_wait3A_651 = tpu.memref_squeeze %dma_wait3A_650 : memref<1x!tpu.dma_semaphore, #tpu.memory_space<semaphore_mem>> -> memref<!tpu.dma_semaphore, #tpu.memory_space<semaphore_mem>>
          %dma_wait3A_652 = arith.constant 0 : i32
          %dma_wait3A_653 = arith.constant 0 : i32
          %dma_wait3A_654 = tpu.memref_slice %run_scoped3A_1[%rem3A_649, %dma_wait3A_652, %dma_wait3A_653] <%multiple_of3A_645> : memref<3x1024x640xf32, #tpu.memory_space<vmem>> -> memref<1x?x640xf32, #tpu.memory_space<vmem>>
          %dma_wait3A_655 = tpu.memref_squeeze %dma_wait3A_654 : memref<1x?x640xf32, #tpu.memory_space<vmem>> -> memref<?x640xf32, #tpu.memory_space<vmem>>
          %dma_wait3A_656 = arith.constant 0 : i32
          %dma_wait3A_657 = tpu.memref_slice %arg4[%mul3A_647, %dma_wait3A_656] <%multiple_of3A_645> : memref<100000x640xf32, #tpu.memory_space<any>> -> memref<?x640xf32, #tpu.memory_space<any>>
          tpu.wait_dma2 semaphore(%dma_wait3A_651 : memref<!tpu.dma_semaphore, #tpu.memory_space<semaphore_mem>>) src(%dma_wait3A_657 : memref<?x640xf32, #tpu.memory_space<any>>) dst(%dma_wait3A_655 : memref<?x640xf32, #tpu.memory_space<vmem>>)
          "tpu.trace_stop"() : () -> ()
        } else {
        }
        %ne3A_410 = arith.cmpi ne, %add3A_277, %add3A_287 : i32
        %or3A_411 = arith.constant false
        %or3A_412 = arith.ori %or3A_411, %ne3A_410 : i1
        %or3A_413 = arith.ori %or3A_412, %eq3A_273 : i1
        %convert_element_type3A_414 = arith.extui %or3A_413 : i1 to i32
        %cond3A_415 = arith.constant 0 : i32
        %cond3A_416 = arith.cmpi ne, %convert_element_type3A_414, %cond3A_415 : i32
        scf.if %cond3A_416 {
          "tpu.trace_start"() <{level = 10 : i32, message = "ep_wait_in"}> : () -> ()
          %mul3A_638 = arith.constant 1024 : i32
          %mul3A_639 = arith.muli %mul3A_638, %add3A_277 : i32
          %eq3A_640 = arith.constant 97 : i32
          %eq3A_641 = arith.cmpi eq, %add3A_277, %eq3A_640 : i32
          %jit3A_642 = arith.constant 768 : i32
          %jit3A_643 = arith.constant 1024 : i32
          %select_n3A_644 = arith.select %eq3A_641, %jit3A_642, %jit3A_643 : i32
          %multiple_of3A_645 = tpu.assume_multiple %select_n3A_644, 128 : i32
          %mul3A_646 = arith.constant 1024 : i32
          %mul3A_647 = arith.muli %add3A_277, %mul3A_646 : i32
          %rem3A_648 = arith.constant 3 : i32
          %rem3A_649 = arith.remui %scan3A_266, %rem3A_648 : i32
          %dma_wait3A_650 = tpu.memref_slice %run_scoped3A_4[%rem3A_649] : memref<3x!tpu.dma_semaphore, #tpu.memory_space<semaphore_mem>> -> memref<1x!tpu.dma_semaphore, #tpu.memory_space<semaphore_mem>>
          %dma_wait3A_651 = tpu.memref_squeeze %dma_wait3A_650 : memref<1x!tpu.dma_semaphore, #tpu.memory_space<semaphore_mem>> -> memref<!tpu.dma_semaphore, #tpu.memory_space<semaphore_mem>>
          %dma_wait3A_652 = arith.constant 0 : i32
          %dma_wait3A_653 = arith.constant 0 : i32
          %dma_wait3A_654 = tpu.memref_slice %run_scoped3A_3[%rem3A_649, %dma_wait3A_652, %dma_wait3A_653] <%multiple_of3A_645> : memref<3x1x1024xf32, #tpu.memory_space<vmem>> -> memref<1x1x?xf32, #tpu.memory_space<vmem>>
          %dma_wait3A_655 = tpu.memref_squeeze %dma_wait3A_654 : memref<1x1x?xf32, #tpu.memory_space<vmem>> -> memref<1x?xf32, #tpu.memory_space<vmem>>
          %dma_wait3A_656 = arith.constant 0 : i32
          %dma_wait3A_657 = tpu.memref_slice %arg5[%dma_wait3A_656, %mul3A_647] <%multiple_of3A_645> : memref<1x100000xf32, #tpu.memory_space<any>> -> memref<1x?xf32, #tpu.memory_space<any>>
          tpu.wait_dma2 semaphore(%dma_wait3A_651 : memref<!tpu.dma_semaphore, #tpu.memory_space<semaphore_mem>>) src(%dma_wait3A_657 : memref<1x?xf32, #tpu.memory_space<any>>) dst(%dma_wait3A_655 : memref<1x?xf32, #tpu.memory_space<vmem>>)
          "tpu.trace_stop"() : () -> ()
        } else {
        }
        %ne3A_417 = arith.cmpi ne, %add3A_277, %add3A_287 : i32
        %or3A_418 = arith.constant false
        %or3A_419 = arith.ori %or3A_418, %ne3A_417 : i1
        %or3A_420 = arith.ori %or3A_419, %eq3A_273 : i1
        %convert_element_type3A_421 = arith.extui %or3A_420 : i1 to i32
        %cond3A_422 = arith.constant 0 : i32
        %cond3A_423 = arith.cmpi ne, %convert_element_type3A_421, %cond3A_422 : i32
        scf.if %cond3A_423 {
          "tpu.trace_start"() <{level = 10 : i32, message = "ep_wait_in"}> : () -> ()
          %mul3A_638 = arith.constant 1024 : i32
          %mul3A_639 = arith.muli %mul3A_638, %add3A_277 : i32
          %eq3A_640 = arith.constant 97 : i32
          %eq3A_641 = arith.cmpi eq, %add3A_277, %eq3A_640 : i32
          %jit3A_642 = arith.constant 768 : i32
          %jit3A_643 = arith.constant 1024 : i32
          %select_n3A_644 = arith.select %eq3A_641, %jit3A_642, %jit3A_643 : i32
          %multiple_of3A_645 = tpu.assume_multiple %select_n3A_644, 128 : i32
          %mul3A_646 = arith.constant 1024 : i32
          %mul3A_647 = arith.muli %add3A_277, %mul3A_646 : i32
          %rem3A_648 = arith.constant 3 : i32
          %rem3A_649 = arith.remui %scan3A_268, %rem3A_648 : i32
          %dma_wait3A_650 = tpu.memref_slice %run_scoped3A_6[%rem3A_649] : memref<3x!tpu.dma_semaphore, #tpu.memory_space<semaphore_mem>> -> memref<1x!tpu.dma_semaphore, #tpu.memory_space<semaphore_mem>>
          %dma_wait3A_651 = tpu.memref_squeeze %dma_wait3A_650 : memref<1x!tpu.dma_semaphore, #tpu.memory_space<semaphore_mem>> -> memref<!tpu.dma_semaphore, #tpu.memory_space<semaphore_mem>>
          %dma_wait3A_652 = arith.constant 0 : i32
          %dma_wait3A_653 = arith.constant 0 : i32
          %dma_wait3A_654 = tpu.memref_slice %run_scoped3A_5[%rem3A_649, %dma_wait3A_652, %dma_wait3A_653] <%multiple_of3A_645> : memref<3x1x1024xf32, #tpu.memory_space<vmem>> -> memref<1x1x?xf32, #tpu.memory_space<vmem>>
          %dma_wait3A_655 = tpu.memref_squeeze %dma_wait3A_654 : memref<1x1x?xf32, #tpu.memory_space<vmem>> -> memref<1x?xf32, #tpu.memory_space<vmem>>
          %dma_wait3A_656 = arith.constant 0 : i32
          %dma_wait3A_657 = tpu.memref_slice %arg6[%dma_wait3A_656, %mul3A_647] <%multiple_of3A_645> : memref<1x100000xf32, #tpu.memory_space<any>> -> memref<1x?xf32, #tpu.memory_space<any>>
          tpu.wait_dma2 semaphore(%dma_wait3A_651 : memref<!tpu.dma_semaphore, #tpu.memory_space<semaphore_mem>>) src(%dma_wait3A_657 : memref<1x?xf32, #tpu.memory_space<any>>) dst(%dma_wait3A_655 : memref<1x?xf32, #tpu.memory_space<vmem>>)
          "tpu.trace_stop"() : () -> ()
        } else {
        }
        %ne3A_424 = arith.cmpi ne, %add3A_277, %add3A_287 : i32
        %or3A_425 = arith.constant false
        %or3A_426 = arith.ori %or3A_425, %ne3A_424 : i1
        %or3A_427 = arith.ori %or3A_426, %eq3A_273 : i1
        %convert_element_type3A_428 = arith.extui %or3A_427 : i1 to i32
        %cond3A_429 = arith.constant 0 : i32
        %cond3A_430 = arith.cmpi ne, %convert_element_type3A_428, %cond3A_429 : i32
        scf.if %cond3A_430 {
        } else {
        }
        %rem3A_431 = arith.constant 3 : i32
        %rem3A_432 = arith.remui %scan3A_262, %rem3A_431 : i32
        %rem3A_433 = arith.constant 3 : i32
        %rem3A_434 = arith.remui %scan3A_264, %rem3A_433 : i32
        %rem3A_435 = arith.constant 3 : i32
        %rem3A_436 = arith.remui %scan3A_266, %rem3A_435 : i32
        %rem3A_437 = arith.constant 3 : i32
        %rem3A_438 = arith.remui %scan3A_268, %rem3A_437 : i32
        %rem3A_439 = arith.constant 2 : i32
        %rem3A_440 = arith.remui %scan3A_269, %rem3A_439 : i32
        %eq3A_441 = arith.constant 0 : i32
        "tpu.trace_start"() <{level = 10 : i32, message = "ep_run_kernel"}> : () -> ()
        %eq3A_442 = arith.cmpi eq, %add3A_277, %eq3A_441 : i32
        %convert_element_type3A_443 = arith.extui %eq3A_442 : i1 to i32
        %cond3A_444 = arith.constant 0 : i32
        %cond3A_445 = arith.cmpi ne, %convert_element_type3A_443, %cond3A_444 : i32
        scf.if %cond3A_445 {
          %get3A_638 = arith.constant 0 : index
          %get3A_639 = arith.constant 0 : index
          %get3A_640 = vector.load %arg0[%get3A_638, %get3A_639] : memref<1024x640xf32, #tpu.memory_space<vmem>>, vector<1024x640xf32>
          %get3A_641 = arith.constant 0 : index
          %get3A_642 = arith.constant 0 : index
          %get3A_643 = vector.load %arg1[%get3A_641, %get3A_642] : memref<512x640xf32, #tpu.memory_space<vmem>>, vector<512x640xf32>
          %dot_general3A_644 = arith.constant dense<0.000000e+00> : vector<1024x512xf32>
          %dot_general3A_645 = tpu.matmul %get3A_640, %get3A_643, %dot_general3A_644 {dimension_numbers = #tpu.dot_dimension_numbers<[1], [1], [0], [0], [0, 0, 1, 0], [], []>, transpose_lhs_hint = false} : vector<1024x640xf32>, vector<512x640xf32>, vector<1024x512xf32> -> vector<1024x512xf32>
          %get3A_646 = arith.constant 0 : index
          %get3A_647 = arith.constant 0 : index
          %get3A_648 = vector.load %arg2[%get3A_646, %get3A_647] : memref<1x512xf32, #tpu.memory_space<vmem>>, vector<1x512xf32>
          %add3A_649 = vector.broadcast %get3A_648 : vector<1x512xf32> to vector<1024x512xf32>
          %add3A_650 = arith.addf %dot_general3A_645, %add3A_649 : vector<1024x512xf32>
          %tanh3A = math.tanh %add3A_650 : vector<1024x512xf32>
          %convert_element_type3A_651 = arith.truncf %tanh3A : vector<1024x512xf32> to vector<1024x512xbf16>
          %swap3A_652 = arith.constant 0 : index
          %swap3A_653 = arith.constant 0 : index
          %swap3A_654 = vector.load %arg8[%swap3A_652, %swap3A_653] : memref<1024x512xbf16, #tpu.memory_space<vmem>>, vector<1024x512xbf16>
          tpu.vector_store %arg8[%swap3A_652, %swap3A_653], %convert_element_type3A_651 {strides = array<i32>} : memref<1024x512xbf16, #tpu.memory_space<vmem>>, vector<1024x512xbf16>,
          %convert_element_type3A_655 = arith.truncf %get3A_640 : vector<1024x640xf32> to vector<1024x640xbf16>
          %swap3A_656 = arith.constant 0 : index
          %swap3A_657 = arith.constant 0 : index
          %swap3A_658 = vector.load %arg9[%swap3A_656, %swap3A_657] : memref<1024x640xbf16, #tpu.memory_space<vmem>>, vector<1024x640xbf16>
          tpu.vector_store %arg9[%swap3A_656, %swap3A_657], %convert_element_type3A_655 {strides = array<i32>} : memref<1024x640xbf16, #tpu.memory_space<vmem>>, vector<1024x640xbf16>,
        } else {
        }
        %get3A = arith.constant 0 : index
        %get3A_446 = arith.constant 0 : index
        %get3A_447 = vector.load %arg8[%get3A, %get3A_446] : memref<1024x512xbf16, #tpu.memory_space<vmem>>, vector<1024x512xbf16>
        %get3A_448 = arith.constant 0 : index
        %get3A_449 = arith.constant 0 : index
        %get3A_450 = vector.load %arg9[%get3A_448, %get3A_449] : memref<1024x640xbf16, #tpu.memory_space<vmem>>, vector<1024x640xbf16>
        %concatenate3A = tpu.concatenate %get3A_447, %get3A_450 in 1 : vector<1024x512xbf16>, vector<1024x640xbf16> -> vector<1024x1152xbf16>
        %get3A_451 = arith.index_cast %rem3A_432 : i32 to index
        %get3A_452 = arith.constant 0 : index
        %get3A_453 = arith.constant 0 : index
        %get3A_454 = vector.load %run_scoped3A[%get3A_451, %get3A_452, %get3A_453] : memref<3x1024x512xf32, #tpu.memory_space<vmem>>, vector<1x1024x512xf32>
        %get3A_455 = vector.shape_cast %get3A_454 : vector<1x1024x512xf32> to vector<1024x512xf32>
        %convert_element_type3A_456 = arith.truncf %get3A_455 : vector<1024x512xf32> to vector<1024x512xbf16>
        %get3A_457 = arith.index_cast %rem3A_434 : i32 to index
        %get3A_458 = arith.constant 0 : index
        %get3A_459 = arith.constant 0 : index
        %get3A_460 = vector.load %run_scoped3A_1[%get3A_457, %get3A_458, %get3A_459] : memref<3x1024x640xf32, #tpu.memory_space<vmem>>, vector<1x1024x640xf32>
        %get3A_461 = vector.shape_cast %get3A_460 : vector<1x1024x640xf32> to vector<1024x640xf32>
        %convert_element_type3A_462 = arith.truncf %get3A_461 : vector<1024x640xf32> to vector<1024x640xbf16>
        %concatenate3A_463 = tpu.concatenate %convert_element_type3A_456, %convert_element_type3A_462 in 1 : vector<1024x512xbf16>, vector<1024x640xbf16> -> vector<1024x1152xbf16>
        %dot_general3A = arith.constant dense<0.000000e+00> : vector<1024x1024xf32>
        %dot_general3A_464 = tpu.matmul %concatenate3A, %concatenate3A_463, %dot_general3A {dimension_numbers = #tpu.dot_dimension_numbers<[1], [1], [0], [0], [0, 0, 1, 0], [], []>, transpose_lhs_hint = false} : vector<1024x1152xbf16>, vector<1024x1152xbf16>, vector<1024x1024xf32> -> vector<1024x1024xf32>
        %get3A_465 = arith.index_cast %rem3A_436 : i32 to index
        %get3A_466 = arith.constant 0 : index
        %get3A_467 = arith.constant 0 : index
        %get3A_468 = vector.load %run_scoped3A_3[%get3A_465, %get3A_466, %get3A_467] : memref<3x1x1024xf32, #tpu.memory_space<vmem>>, vector<1x1x1024xf32>
        %get3A_469 = vector.shape_cast %get3A_468 : vector<1x1x1024xf32> to vector<1x1024xf32>
        %add3A_470 = vector.broadcast %get3A_469 : vector<1x1024xf32> to vector<1024x1024xf32>
        %add3A_471 = arith.addf %dot_general3A_464, %add3A_470 : vector<1024x1024xf32>
        %get3A_472 = arith.index_cast %rem3A_438 : i32 to index
        %get3A_473 = arith.constant 0 : index
        %get3A_474 = arith.constant 0 : index
        %get3A_475 = vector.load %run_scoped3A_5[%get3A_472, %get3A_473, %get3A_474] : memref<3x1x1024xf32, #tpu.memory_space<vmem>>, vector<1x1x1024xf32>
        %get3A_476 = vector.shape_cast %get3A_475 : vector<1x1x1024xf32> to vector<1x1024xf32>
        %add3A_477 = vector.broadcast %get3A_476 : vector<1x1024xf32> to vector<1024x1024xf32>
        %add3A_478 = arith.addf %add3A_471, %add3A_477 : vector<1024x1024xf32>
        %swap3A = arith.index_cast %rem3A_440 : i32 to index
        %swap3A_479 = arith.constant 0 : index
        %swap3A_480 = arith.constant 0 : index
        %swap3A_481 = vector.load %run_scoped3A_7[%swap3A, %swap3A_479, %swap3A_480] : memref<2x1024x1024xf32, #tpu.memory_space<vmem>>, vector<1x1024x1024xf32>
        %swap3A_482 = vector.shape_cast %swap3A_481 : vector<1x1024x1024xf32> to vector<1024x1024xf32>
        %swap3A_483 = vector.shape_cast %add3A_478 : vector<1024x1024xf32> to vector<1x1024x1024xf32>
        tpu.vector_store %run_scoped3A_7[%swap3A, %swap3A_479, %swap3A_480], %swap3A_483 {strides = array<i32>} : memref<2x1024x1024xf32, #tpu.memory_space<vmem>>, vector<1x1024x1024xf32>,
        "tpu.trace_stop"() : () -> ()
        %ne3A_484 = arith.cmpi ne, %add3A_277, %add3A_297 : i32
        %or3A_485 = arith.constant false
        %or3A_486 = arith.ori %or3A_485, %ne3A_484 : i1
        %or3A_487 = arith.constant false
        %or3A_488 = arith.ori %or3A_486, %or3A_487 : i1
        %or3A_489 = arith.ori %or3A_488, %eq3A_275 : i1
        %convert_element_type3A_490 = arith.extui %or3A_489 : i1 to i32
        %cond3A_491 = arith.constant 0 : i32
        %cond3A_492 = arith.cmpi ne, %convert_element_type3A_490, %cond3A_491 : i32
        scf.if %cond3A_492 {
        } else {
        }
        %and3A_493 = arith.constant false
        %and3A_494 = arith.andi %or3A_489, %and3A_493 : i1
        %ne3A_495 = arith.cmpi ne, %add3A_277, %add3A_297 : i32
        %or3A_496 = arith.constant false
        %or3A_497 = arith.ori %or3A_496, %ne3A_495 : i1
        %or3A_498 = arith.constant false
        %or3A_499 = arith.ori %or3A_497, %or3A_498 : i1
        %or3A_500 = arith.ori %or3A_499, %eq3A_275 : i1
        %convert_element_type3A_501 = arith.extui %or3A_500 : i1 to i32
        %cond3A_502 = arith.constant 0 : i32
        %cond3A_503 = arith.cmpi ne, %convert_element_type3A_501, %cond3A_502 : i32
        scf.if %cond3A_503 {
        } else {
        }
        %and3A_504 = arith.constant false
        %and3A_505 = arith.andi %or3A_500, %and3A_504 : i1
        %ne3A_506 = arith.cmpi ne, %add3A_277, %add3A_297 : i32
        %or3A_507 = arith.constant false
        %or3A_508 = arith.ori %or3A_507, %ne3A_506 : i1
        %or3A_509 = arith.ori %or3A_508, %eq3A_275 : i1
        %convert_element_type3A_510 = arith.extui %or3A_509 : i1 to i32
        %cond3A_511 = arith.constant 0 : i32
        %cond3A_512 = arith.cmpi ne, %convert_element_type3A_510, %cond3A_511 : i32
        scf.if %cond3A_512 {
        } else {
        }
        %and3A_513 = arith.constant false
        %and3A_514 = arith.andi %or3A_509, %and3A_513 : i1
        %ne3A_515 = arith.cmpi ne, %add3A_277, %add3A_297 : i32
        %or3A_516 = arith.constant false
        %or3A_517 = arith.ori %or3A_516, %ne3A_515 : i1
        %or3A_518 = arith.ori %or3A_517, %eq3A_275 : i1
        %convert_element_type3A_519 = arith.extui %or3A_518 : i1 to i32
        %cond3A_520 = arith.constant 0 : i32
        %cond3A_521 = arith.cmpi ne, %convert_element_type3A_519, %cond3A_520 : i32
        scf.if %cond3A_521 {
        } else {
        }
        %and3A_522 = arith.constant false
        %and3A_523 = arith.andi %or3A_518, %and3A_522 : i1
        %ne3A_524 = arith.cmpi ne, %add3A_277, %add3A_297 : i32
        %or3A_525 = arith.constant false
        %or3A_526 = arith.ori %or3A_525, %ne3A_524 : i1
        %or3A_527 = arith.ori %or3A_526, %eq3A_275 : i1
        %convert_element_type3A_528 = arith.extui %or3A_527 : i1 to i32
        %cond3A_529 = arith.constant 0 : i32
        %cond3A_530 = arith.cmpi ne, %convert_element_type3A_528, %cond3A_529 : i32
        scf.if %cond3A_530 {
          "tpu.trace_start"() <{level = 10 : i32, message = "ep_copy_out"}> : () -> ()
          %rem3A_638 = arith.constant 2 : i32
          %rem3A_639 = arith.remui %scan3A_269, %rem3A_638 : i32
          %mul3A_640 = arith.constant 1024 : i32
          %mul3A_641 = arith.muli %mul3A_640, %add3A_277 : i32
          %eq3A_642 = arith.constant 97 : i32
          %eq3A_643 = arith.cmpi eq, %add3A_277, %eq3A_642 : i32
          %jit3A_644 = arith.constant 768 : i32
          %jit3A_645 = arith.constant 1024 : i32
          %select_n3A_646 = arith.select %eq3A_643, %jit3A_644, %jit3A_645 : i32
          %multiple_of3A_647 = tpu.assume_multiple %select_n3A_646, 128 : i32
          %mul3A_648 = arith.constant 1024 : i32
          %mul3A_649 = arith.muli %add3A_277, %mul3A_648 : i32
          %dma_start3A_650 = tpu.memref_slice %run_scoped3A_8[%rem3A_639] : memref<2x!tpu.dma_semaphore, #tpu.memory_space<semaphore_mem>> -> memref<1x!tpu.dma_semaphore, #tpu.memory_space<semaphore_mem>>
          %dma_start3A_651 = tpu.memref_squeeze %dma_start3A_650 : memref<1x!tpu.dma_semaphore, #tpu.memory_space<semaphore_mem>> -> memref<!tpu.dma_semaphore, #tpu.memory_space<semaphore_mem>>
          %dma_start3A_652 = arith.constant 0 : i32
          %dma_start3A_653 = tpu.memref_slice %arg7[%dma_start3A_652, %mul3A_649] <%multiple_of3A_647> : memref<1024x100000xf32, #tpu.memory_space<any>> -> memref<1024x?xf32, #tpu.memory_space<any>>
          %dma_start3A_654 = arith.constant 0 : i32
          %dma_start3A_655 = arith.constant 0 : i32
          %dma_start3A_656 = tpu.memref_slice %run_scoped3A_7[%rem3A_639, %dma_start3A_654, %dma_start3A_655] <%multiple_of3A_647> : memref<2x1024x1024xf32, #tpu.memory_space<vmem>> -> memref<1x1024x?xf32, #tpu.memory_space<vmem>>
          %dma_start3A_657 = tpu.memref_squeeze %dma_start3A_656 : memref<1x1024x?xf32, #tpu.memory_space<vmem>> -> memref<1024x?xf32, #tpu.memory_space<vmem>>
          tpu.enqueue_dma source(%dma_start3A_657 : memref<1024x?xf32, #tpu.memory_space<vmem>>) target(%dma_start3A_653 : memref<1024x?xf32, #tpu.memory_space<any>>) target_semaphore(%dma_start3A_651 : memref<!tpu.dma_semaphore, #tpu.memory_space<semaphore_mem>>)
          "tpu.trace_stop"() : () -> ()
        } else {
        }
        %and3A_531 = arith.constant true
        %and3A_532 = arith.andi %or3A_527, %and3A_531 : i1
        %add3A_533 = arith.constant 1 : i32
        %add3A_534 = arith.addi %scan3A_269, %add3A_533 : i32
        %select_n3A_535 = arith.select %and3A_532, %add3A_534, %scan3A_269 : i32
        %ne3A_536 = arith.cmpi ne, %add3A_277, %add3A_287 : i32
        %or3A_537 = arith.constant false
        %or3A_538 = arith.ori %or3A_537, %ne3A_536 : i1
        %or3A_539 = arith.constant false
        %or3A_540 = arith.ori %or3A_538, %or3A_539 : i1
        %not3A_541 = arith.constant true
        %not3A_542 = arith.xori %eq3A_273, %not3A_541 : i1
        %and3A_543 = arith.andi %or3A_540, %not3A_542 : i1
        %convert_element_type3A_544 = arith.extui %and3A_543 : i1 to i32
        %cond3A_545 = arith.constant 0 : i32
        %cond3A_546 = arith.cmpi ne, %convert_element_type3A_544, %cond3A_545 : i32
        scf.if %cond3A_546 {
        } else {
        }
        %and3A_547 = arith.constant false
        %and3A_548 = arith.andi %and3A_543, %and3A_547 : i1
        %ne3A_549 = arith.cmpi ne, %add3A_277, %add3A_287 : i32
        %or3A_550 = arith.constant false
        %or3A_551 = arith.ori %or3A_550, %ne3A_549 : i1
        %or3A_552 = arith.constant false
        %or3A_553 = arith.ori %or3A_551, %or3A_552 : i1
        %not3A_554 = arith.constant true
        %not3A_555 = arith.xori %eq3A_273, %not3A_554 : i1
        %and3A_556 = arith.andi %or3A_553, %not3A_555 : i1
        %convert_element_type3A_557 = arith.extui %and3A_556 : i1 to i32
        %cond3A_558 = arith.constant 0 : i32
        %cond3A_559 = arith.cmpi ne, %convert_element_type3A_557, %cond3A_558 : i32
        scf.if %cond3A_559 {
        } else {
        }
        %and3A_560 = arith.constant false
        %and3A_561 = arith.andi %and3A_556, %and3A_560 : i1
        %ne3A_562 = arith.cmpi ne, %add3A_277, %add3A_287 : i32
        %or3A_563 = arith.constant false
        %or3A_564 = arith.ori %or3A_563, %ne3A_562 : i1
        %not3A_565 = arith.constant true
        %not3A_566 = arith.xori %eq3A_273, %not3A_565 : i1
        %and3A_567 = arith.andi %or3A_564, %not3A_566 : i1
        %convert_element_type3A_568 = arith.extui %and3A_567 : i1 to i32
        %cond3A_569 = arith.constant 0 : i32
        %cond3A_570 = arith.cmpi ne, %convert_element_type3A_568, %cond3A_569 : i32
        scf.if %cond3A_570 {
        } else {
        }
        %and3A_571 = arith.constant false
        %and3A_572 = arith.andi %and3A_567, %and3A_571 : i1
        %ne3A_573 = arith.cmpi ne, %add3A_277, %add3A_287 : i32
        %or3A_574 = arith.constant false
        %or3A_575 = arith.ori %or3A_574, %ne3A_573 : i1
        %not3A_576 = arith.constant true
        %not3A_577 = arith.xori %eq3A_273, %not3A_576 : i1
        %and3A_578 = arith.andi %or3A_575, %not3A_577 : i1
        %convert_element_type3A_579 = arith.extui %and3A_578 : i1 to i32
        %cond3A_580 = arith.constant 0 : i32
        %cond3A_581 = arith.cmpi ne, %convert_element_type3A_579, %cond3A_580 : i32
        scf.if %cond3A_581 {
        } else {
        }
        %and3A_582 = arith.constant false
        %and3A_583 = arith.andi %and3A_578, %and3A_582 : i1
        %ne3A_584 = arith.cmpi ne, %add3A_277, %add3A_287 : i32
        %or3A_585 = arith.constant false
        %or3A_586 = arith.ori %or3A_585, %ne3A_584 : i1
        %not3A_587 = arith.constant true
        %not3A_588 = arith.xori %eq3A_273, %not3A_587 : i1
        %and3A_589 = arith.andi %or3A_586, %not3A_588 : i1
        %convert_element_type3A_590 = arith.extui %and3A_589 : i1 to i32
        %cond3A_591 = arith.constant 0 : i32
        %cond3A_592 = arith.cmpi ne, %convert_element_type3A_590, %cond3A_591 : i32
        scf.if %cond3A_592 {
          "tpu.trace_start"() <{level = 10 : i32, message = "ep_wait_out"}> : () -> ()
          %rem3A_638 = arith.constant 2 : i32
          %rem3A_639 = arith.remui %scan3A_270, %rem3A_638 : i32
          %mul3A_640 = arith.constant 1024 : i32
          %mul3A_641 = arith.muli %mul3A_640, %add3A_287 : i32
          %eq3A_642 = arith.constant 97 : i32
          %eq3A_643 = arith.cmpi eq, %add3A_287, %eq3A_642 : i32
          %jit3A_644 = arith.constant 768 : i32
          %jit3A_645 = arith.constant 1024 : i32
          %select_n3A_646 = arith.select %eq3A_643, %jit3A_644, %jit3A_645 : i32
          %multiple_of3A_647 = tpu.assume_multiple %select_n3A_646, 128 : i32
          %mul3A_648 = arith.constant 1024 : i32
          %mul3A_649 = arith.muli %add3A_287, %mul3A_648 : i32
          %dma_wait3A_650 = tpu.memref_slice %run_scoped3A_8[%rem3A_639] : memref<2x!tpu.dma_semaphore, #tpu.memory_space<semaphore_mem>> -> memref<1x!tpu.dma_semaphore, #tpu.memory_space<semaphore_mem>>
          %dma_wait3A_651 = tpu.memref_squeeze %dma_wait3A_650 : memref<1x!tpu.dma_semaphore, #tpu.memory_space<semaphore_mem>> -> memref<!tpu.dma_semaphore, #tpu.memory_space<semaphore_mem>>
          %dma_wait3A_652 = arith.constant 0 : i32
          %dma_wait3A_653 = tpu.memref_slice %arg7[%dma_wait3A_652, %mul3A_649] <%multiple_of3A_647> : memref<1024x100000xf32, #tpu.memory_space<any>> -> memref<1024x?xf32, #tpu.memory_space<any>>
          %dma_wait3A_654 = arith.constant 0 : i32
          %dma_wait3A_655 = arith.constant 0 : i32
          %dma_wait3A_656 = tpu.memref_slice %run_scoped3A_7[%rem3A_639, %dma_wait3A_654, %dma_wait3A_655] <%multiple_of3A_647> : memref<2x1024x1024xf32, #tpu.memory_space<vmem>> -> memref<1x1024x?xf32, #tpu.memory_space<vmem>>
          %dma_wait3A_657 = tpu.memref_squeeze %dma_wait3A_656 : memref<1x1024x?xf32, #tpu.memory_space<vmem>> -> memref<1024x?xf32, #tpu.memory_space<vmem>>
          tpu.wait_dma2 semaphore(%dma_wait3A_651 : memref<!tpu.dma_semaphore, #tpu.memory_space<semaphore_mem>>) src(%dma_wait3A_657 : memref<1024x?xf32, #tpu.memory_space<vmem>>) dst(%dma_wait3A_653 : memref<1024x?xf32, #tpu.memory_space<any>>)
          "tpu.trace_stop"() : () -> ()
        } else {
        }
        %and3A_593 = arith.constant true
        %and3A_594 = arith.andi %and3A_589, %and3A_593 : i1
        %add3A_595 = arith.constant 1 : i32
        %add3A_596 = arith.addi %scan3A_270, %add3A_595 : i32
        %select_n3A_597 = arith.select %and3A_594, %add3A_596, %scan3A_270 : i32
        %ne3A_598 = arith.cmpi ne, %add3A_277, %add3A_297 : i32
        %or3A_599 = arith.constant false
        %or3A_600 = arith.ori %or3A_599, %ne3A_598 : i1
        %or3A_601 = arith.constant false
        %or3A_602 = arith.ori %or3A_600, %or3A_601 : i1
        %or3A_603 = arith.ori %or3A_602, %eq3A_275 : i1
        %add3A_604 = arith.constant 1 : i32
        %add3A_605 = arith.addi %scan3A_262, %add3A_604 : i32
        %select_n3A_606 = arith.select %or3A_603, %add3A_605, %scan3A_262 : i32
        %ne3A_607 = arith.cmpi ne, %add3A_277, %add3A_297 : i32
        %or3A_608 = arith.constant false
        %or3A_609 = arith.ori %or3A_608, %ne3A_607 : i1
        %or3A_610 = arith.constant false
        %or3A_611 = arith.ori %or3A_609, %or3A_610 : i1
        %or3A_612 = arith.ori %or3A_611, %eq3A_275 : i1
        %add3A_613 = arith.constant 1 : i32
        %add3A_614 = arith.addi %scan3A_264, %add3A_613 : i32
        %select_n3A_615 = arith.select %or3A_612, %add3A_614, %scan3A_264 : i32
        %ne3A_616 = arith.cmpi ne, %add3A_277, %add3A_297 : i32
        %or3A_617 = arith.constant false
        %or3A_618 = arith.ori %or3A_617, %ne3A_616 : i1
        %or3A_619 = arith.ori %or3A_618, %eq3A_275 : i1
        %add3A_620 = arith.constant 1 : i32
        %add3A_621 = arith.addi %scan3A_266, %add3A_620 : i32
        %select_n3A_622 = arith.select %or3A_619, %add3A_621, %scan3A_266 : i32
        %ne3A_623 = arith.cmpi ne, %add3A_277, %add3A_297 : i32
        %or3A_624 = arith.constant false
        %or3A_625 = arith.ori %or3A_624, %ne3A_623 : i1
        %or3A_626 = arith.ori %or3A_625, %eq3A_275 : i1
        %add3A_627 = arith.constant 1 : i32
        %add3A_628 = arith.addi %scan3A_268, %add3A_627 : i32
        %select_n3A_629 = arith.select %or3A_626, %add3A_628, %scan3A_268 : i32
        %add3A_630 = arith.constant 1 : i32
        %add3A_631 = arith.addi %scan3A_271, %add3A_630 : i32
        %select_n3A_632 = arith.constant true
        %select_n3A_633 = arith.select %select_n3A_632, %add3A_631, %scan3A_271 : i32
        %eq3A_634 = arith.constant 98 : i32
        %eq3A_635 = arith.cmpi eq, %select_n3A_633, %eq3A_634 : i32
        %select_n3A_636 = arith.constant 0 : i32
        %select_n3A_637 = arith.select %eq3A_635, %select_n3A_636, %select_n3A_633 : i32
        scf.yield %select_n3A_333, %select_n3A_606, %select_n3A_351, %select_n3A_615, %select_n3A_367, %select_n3A_622, %select_n3A_383, %select_n3A_629, %select_n3A_535, %select_n3A_597, %select_n3A_637 : i32, i32, i32, i32, i32, i32, i32, i32, i32, i32, i32
      }
      %scan3A_192 = arith.constant 98 : i32
      %sub3A = arith.constant 1 : i32
      %sub3A_193 = arith.subi %scan3A_191#10, %sub3A : i32
      %select_n3A_194 = arith.constant true
      %select_n3A_195 = arith.select %select_n3A_194, %sub3A_193, %scan3A_191#10 : i32
      %eq3A_196 = arith.constant -1 : i32
      %eq3A_197 = arith.cmpi eq, %select_n3A_195, %eq3A_196 : i32
      %select_n3A_198 = arith.constant 97 : i32
      %select_n3A_199 = arith.select %eq3A_197, %select_n3A_198, %select_n3A_195 : i32
      %add3A_200 = arith.constant 0 : i32
      %add3A_201 = arith.addi %select_n3A_199, %add3A_200 : i32
      %sub3A_202 = arith.constant 1 : i32
      %sub3A_203 = arith.subi %select_n3A_199, %sub3A_202 : i32
      %select_n3A_204 = arith.constant true
      %select_n3A_205 = arith.select %select_n3A_204, %sub3A_203, %select_n3A_199 : i32
      %eq3A_206 = arith.constant -1 : i32
      %eq3A_207 = arith.cmpi eq, %select_n3A_205, %eq3A_206 : i32
      %select_n3A_208 = arith.constant 97 : i32
      %select_n3A_209 = arith.select %eq3A_207, %select_n3A_208, %select_n3A_205 : i32
      %add3A_210 = arith.constant 0 : i32
      %add3A_211 = arith.addi %select_n3A_209, %add3A_210 : i32
      %add3A_212 = arith.constant 1 : i32
      %add3A_213 = arith.addi %select_n3A_199, %add3A_212 : i32
      %select_n3A_214 = arith.constant true
      %select_n3A_215 = arith.select %select_n3A_214, %add3A_213, %select_n3A_199 : i32
      %eq3A_216 = arith.constant 98 : i32
      %eq3A_217 = arith.cmpi eq, %select_n3A_215, %eq3A_216 : i32
      %select_n3A_218 = arith.constant 0 : i32
      %select_n3A_219 = arith.select %eq3A_217, %select_n3A_218, %select_n3A_215 : i32
      %add3A_220 = arith.constant 0 : i32
      %add3A_221 = arith.addi %select_n3A_219, %add3A_220 : i32
      %add3A_222 = arith.constant 1 : i32
      %add3A_223 = arith.addi %select_n3A_219, %add3A_222 : i32
      %select_n3A_224 = arith.constant true
      %select_n3A_225 = arith.select %select_n3A_224, %add3A_223, %select_n3A_219 : i32
      %eq3A_226 = arith.constant 98 : i32
      %eq3A_227 = arith.cmpi eq, %select_n3A_225, %eq3A_226 : i32
      %select_n3A_228 = arith.constant 0 : i32
      %select_n3A_229 = arith.select %eq3A_227, %select_n3A_228, %select_n3A_225 : i32
      %add3A_230 = arith.constant 0 : i32
      %add3A_231 = arith.addi %select_n3A_229, %add3A_230 : i32
      %add3A_232 = arith.constant 1 : i32
      %add3A_233 = arith.addi %select_n3A_229, %add3A_232 : i32
      %select_n3A_234 = arith.constant true
      %select_n3A_235 = arith.select %select_n3A_234, %add3A_233, %select_n3A_229 : i32
      %eq3A_236 = arith.constant 98 : i32
      %eq3A_237 = arith.cmpi eq, %select_n3A_235, %eq3A_236 : i32
      %select_n3A_238 = arith.constant 0 : i32
      %select_n3A_239 = arith.select %eq3A_237, %select_n3A_238, %select_n3A_235 : i32
      %add3A_240 = arith.constant 0 : i32
      %add3A_241 = arith.addi %select_n3A_239, %add3A_240 : i32
      "tpu.trace_start"() <{level = 10 : i32, message = "ep_finalize"}> : () -> ()
      %rem3A_242 = arith.constant 2 : i32
      %rem3A_243 = arith.remui %scan3A_191#9, %rem3A_242 : i32
      %mul3A = arith.constant 1024 : i32
      %mul3A_244 = arith.muli %mul3A, %add3A_201 : i32
      %eq3A_245 = arith.constant 97 : i32
      %eq3A_246 = arith.cmpi eq, %add3A_201, %eq3A_245 : i32
      %jit3A_247 = arith.constant 768 : i32
      %jit3A_248 = arith.constant 1024 : i32
      %select_n3A_249 = arith.select %eq3A_246, %jit3A_247, %jit3A_248 : i32
      %multiple_of3A_250 = tpu.assume_multiple %select_n3A_249, 128 : i32
      %mul3A_251 = arith.constant 1024 : i32
      %mul3A_252 = arith.muli %add3A_201, %mul3A_251 : i32
      %dma_wait3A = tpu.memref_slice %run_scoped3A_8[%rem3A_243] : memref<2x!tpu.dma_semaphore, #tpu.memory_space<semaphore_mem>> -> memref<1x!tpu.dma_semaphore, #tpu.memory_space<semaphore_mem>>
      %dma_wait3A_253 = tpu.memref_squeeze %dma_wait3A : memref<1x!tpu.dma_semaphore, #tpu.memory_space<semaphore_mem>> -> memref<!tpu.dma_semaphore, #tpu.memory_space<semaphore_mem>>
      %dma_wait3A_254 = arith.constant 0 : i32
      %dma_wait3A_255 = tpu.memref_slice %arg7[%dma_wait3A_254, %mul3A_252] <%multiple_of3A_250> : memref<1024x100000xf32, #tpu.memory_space<any>> -> memref<1024x?xf32, #tpu.memory_space<any>>
      %dma_wait3A_256 = arith.constant 0 : i32
      %dma_wait3A_257 = arith.constant 0 : i32
      %dma_wait3A_258 = tpu.memref_slice %run_scoped3A_7[%rem3A_243, %dma_wait3A_256, %dma_wait3A_257] <%multiple_of3A_250> : memref<2x1024x1024xf32, #tpu.memory_space<vmem>> -> memref<1x1024x?xf32, #tpu.memory_space<vmem>>
      %dma_wait3A_259 = tpu.memref_squeeze %dma_wait3A_258 : memref<1x1024x?xf32, #tpu.memory_space<vmem>> -> memref<1024x?xf32, #tpu.memory_space<vmem>>
      tpu.wait_dma2 semaphore(%dma_wait3A_253 : memref<!tpu.dma_semaphore, #tpu.memory_space<semaphore_mem>>) src(%dma_wait3A_259 : memref<1024x?xf32, #tpu.memory_space<vmem>>) dst(%dma_wait3A_255 : memref<1024x?xf32, #tpu.memory_space<any>>)
      "tpu.trace_stop"() : () -> ()
      tpu.yield
    }) : () -> ()
    return
  }
}

</mosaic_0001>

<sc_bundles>
// kernel: kernel.4.cloned.1.call-start
scs
__scs_entry_jumppad:
0x0: {  	(pc) =	sbr.rel $0x88, $3  }
0x1: {  	(tag) =	ssettag $0x0;
	lr =	simm.s32 $0x1  }
0x2: {  	[smem:$0x3F99] =	sst lr;
	_ =	strace $0xD0000000  }
0x3: {  	_ = 	snop  }
0x4: {  	_ = 	snop  }
0x5: {  	_ = 	snop  }
0x6: {  	_ = 	snop  }
0x7: {  	_ = 	snop  }
__scs_overlays_trampoline_lowered:
0x8: {  	[smem:$0x3FA8] =	sst s0  }
0x9: {  	[smem:$0x3FA9] =	sst s1  }
0xa: {  	[smem:$0x3FAA] =	sst s2  }
0xb: {  	[smem:$0x3FAB] =	sst s3  }
0xc: {  	[smem:$0x3FAC] =	sst s4  }
0xd: {  	[smem:$0x3FAD] =	sst s5  }
0xe: {  	[smem:$0x3FAE] =	sst s6  }
0xf: {  	[smem:$0x3FAF] =	sst s7  }
0x10: {  	[smem:$0x3FB0] =	sst s8  }
0x11: {  	[smem:$0x3FB1] =	sst s9;
	s0 =	simm.s32 @!p0 $0x0  }
0x12: {  	s1 =	sld [smem:$0x3F97];
	s0 =	simm.s32 @p0 $0x1  }
0x13: {  	[smem:$0x3FB2] =	sst s0;
	s0 =	simm.s32 @!p1 $0x0  }
0x14: {  	s2 =	sld [smem:$0x3F96];
	s0 =	simm.s32 @p1 $0x1  }
0x15: {  	[smem:$0x3FB3] =	sst s0;
	s0 =	simm.s32 @!p2 $0x0  }
0x16: {  	s3 =	sld [smem:$0x3FDB];
	s0 =	simm.s32 @p2 $0x1  }
0x17: {  	s4 =	simm.s32 $0x1BF5;
	[smem:$0x3FB5] =	sst s0  }
0x18: {  	s0 =	sld [smem:$0x3F98];
	_ =	swait.ge [sflag:s4], $0x0  }
0x19: {  	s7 =	sld [smem:$0x3F99]  }
0x1a: {  	s8 =	sadd.s32 $0xFFFFE003, lr  }
0x1b: {  	s9 =	sadd.s32 $0xFFFFFEF7, lr;
	s5 =	simm.s32 $0xFFFFFFFF;
	p2 =	slt.u32 s8, $0xFFFFF086  }
0x1c: {  	p1 =	slt.u32 s9, $0xF7A;
	s5 =	simm.s32 @!p2 $0x0  }
0x1d: {  	s5 =	simm.s32 @p1 $0x1;
	p0 =	seq.s32 s7, s2  }
0x1e: {  	s7 =	smul.u32 @!p0 $0xF7A, s2;
	p2 =	seq.s32 @!p0 s5, $0x0  }
0x1f: {  	s9 =	smul.u32 $0xF7A, s1;
	s8 =	simm.s32 @!p0 $0x1BF5;
	p2 =	por !p2, p0  }
0x20: {  	[sflag:s8] =	ssyncset.s32 @!p0 $0xFFFFF086;
	s6 =	sadd.s32 @!p0 s3, s7;
	s7 =	simm.s32 @!p0 $0x108  }
0x21: {  	s3 =	sadd.s32 s3, s9;
	s6 =	sadd.s32 @!p0 $0x88, s6;
	s7 =	simm.s32 @p2 $0x1082  }
0x22: {  	[simem:s7], [sflag:s8] =	dma.local @!p0 [hbm:s6], $0xF7A  }
0x23: {  	s9 =	sor.u32 $0xD0000000, s2;
	s6 =	simm.s32 $0x108;
	_ =	swait.ge @!p0 [sflag:s8], $0x0  }
0x24: {  	s3 =	sadd.s32 $0x88, s3;
	s6 =	simm.s32 @!p1 $0x1082;
	[sflag:s4] =	ssyncset.s32 $0xFFFFF086  }
0x25: {  	[simem:s6], [sflag:s4] =	dma.local [hbm:s3], $0xF7A  }
0x26: {  	[smem:$0x3F99] =	sst s1;
	(tag) =	ssettag s2;
	_ =	strace s9  }
0x27: {  	s1 =	sld [smem:$0x3FA9]  }
0x28: {  	s2 =	sld [smem:$0x3FAA]  }
0x29: {  	s4 =	sld [smem:$0x3FAC]  }
0x2a: {  	p0 =	seq.s32 s5, $0x0;
	s5 =	sld [smem:$0x3FAD]  }
0x2b: {  	s6 =	sld [smem:$0x3FAE]  }
0x2c: {  	s7 =	sld [smem:$0x3FAF]  }
0x2d: {  	s3 =	simm.s32 $0x108;
	s8 =	sld [smem:$0x3FB0]  }
0x2e: {  	s3 =	simm.s32 @!p0 $0x1082;
	s9 =	sld [smem:$0x3FB1]  }
0x2f: {  	lr =	sadd.s32 s0, s3;
	s0 =	sld [smem:$0x3FA8]  }
0x30: {  	s3 =	sld [smem:$0x3FAB]  }
0x31: {  	[smem:$0x3FB4] =	sst s10  }
0x32: {  	s10 =	sld [smem:$0x3FB2];
	_ =	sdelay $0x3  }
0x33: {  	p0 =	seq.s32 s10, $0x1;
	s10 =	sld [smem:$0x3FB4];
	_ =	sdelay $0x3  }
0x34: {  	[smem:$0x3FB4] =	sst s10  }
0x35: {  	s10 =	sld [smem:$0x3FB3];
	_ =	sdelay $0x3  }
0x36: {  	p1 =	seq.s32 s10, $0x1;
	s10 =	sld [smem:$0x3FB4];
	_ =	sdelay $0x3  }
0x37: {  	[smem:$0x3FB4] =	sst s10  }
0x38: {  	s10 =	sld [smem:$0x3FB5]  }
0x39: {  	_ = 	snop;
	(pc) =	sbr.ind lr, $3  }
0x3a: {  	_ = 	snop  }
0x3b: {  	_ = 	snop  }
0x3c: {  	p2 =	seq.s32 s10, $0x1;
	s10 =	sld [smem:$0x3FB4]  }
0x3d: {  	_ =	shalt  }
0x3e: {  	_ =	shalt  }
0x3f: {  	_ =	shalt  }
0x40: {  	_ =	shalt  }
0x41: {  	_ =	shalt  }
0x42: {  	_ =	shalt  }
0x43: {  	_ =	shalt  }
0x44: {  	_ =	shalt  }
0x45: {  	_ =	shalt  }
0x46: {  	_ =	shalt  }
0x47: {  	_ =	shalt  }
0x48: {  	_ =	shalt  }
0x49: {  	_ =	shalt  }
0x4a: {  	_ =	shalt  }
0x4b: {  	_ =	shalt  }
0x4c: {  	_ =	shalt  }
0x4d: {  	_ =	shalt  }
0x4e: {  	_ =	shalt  }
0x4f: {  	_ =	shalt  }
0x50: {  	_ =	shalt  }
0x51: {  	_ =	shalt  }
0x52: {  	_ =	shalt  }
0x53: {  	_ =	shalt  }
0x54: {  	_ =	shalt  }
0x55: {  	_ =	shalt  }
0x56: {  	_ =	shalt  }
0x57: {  	_ =	shalt  }
0x58: {  	_ =	shalt  }
0x59: {  	_ =	shalt  }
0x5a: {  	_ =	shalt  }
0x5b: {  	_ =	shalt  }
0x5c: {  	_ =	shalt  }
0x5d: {  	_ =	shalt  }
0x5e: {  	_ =	shalt  }
0x5f: {  	_ =	shalt  }
0x60: {  	_ =	shalt  }
0x61: {  	_ =	shalt  }
0x62: {  	_ =	shalt  }
0x63: {  	_ =	shalt  }
0x64: {  	_ =	shalt  }
0x65: {  	_ =	shalt  }
0x66: {  	_ =	shalt  }
0x67: {  	_ =	shalt  }
0x68: {  	_ =	shalt  }
0x69: {  	_ =	shalt  }
0x6a: {  	_ =	shalt  }
0x6b: {  	_ =	shalt  }
0x6c: {  	_ =	shalt  }
0x6d: {  	_ =	shalt  }
0x6e: {  	_ =	shalt  }
0x6f: {  	_ =	shalt  }
0x70: {  	_ =	shalt  }
0x71: {  	_ =	shalt  }
0x72: {  	_ =	shalt  }
0x73: {  	_ =	shalt  }
0x74: {  	_ =	shalt  }
0x75: {  	_ =	shalt  }
0x76: {  	_ =	shalt  }
0x77: {  	_ =	shalt  }
0x78: {  	_ =	shalt  }
0x79: {  	_ =	shalt  }
0x7a: {  	_ =	shalt  }
0x7b: {  	_ =	shalt  }
0x7c: {  	_ =	shalt  }
0x7d: {  	_ =	shalt  }
0x7e: {  	_ =	shalt  }
0x7f: {  	_ =	shalt  }
0x80: {  	_ =	shalt  }
0x81: {  	_ =	shalt  }
0x82: {  	_ =	shalt  }
0x83: {  	_ =	shalt  }
0x84: {  	_ =	shalt  }
0x85: {  	_ =	shalt  }
0x86: {  	_ =	shalt  }
0x87: {  	_ =	shalt  }
.Lfunc_end0:
.L_simem_size_0:
called_computation_lowered:
.L_overlay_start_0:
0x88: {  	s2 =	sld [smem:$0x3FD9]  }
0x89: {  	s3 =	sld [smem:$0x3FFE];
	_ =	sdelay $0x1  }
0x8a: {  	s1 =	srdreg.scid  }
0x8b: {  	s0 =	sand.u32 $0x1, s1  }
0x8c: {  	s17 =	sshll.u32 s0, $0xA;
	s2 =	sadd.s32 s3, s2  }
0x8d: {  	s2 =	sadd.s32 s2, s17  }
0x8e: {  	[smem:$0x3FC0] =	sst s2  }
0x8f: {  	_ = 	snop  }
0x90: {  	s2 =	sld [smem:$0x3FD0];
	(tm) =	ssettm $0x1  }
0x91: {  	s18 =	sld [smem:$0x3FFB];
	_ =	sdelay $0x3  }
0x92: {  	_ =	strace s18  }
0x93: {  	s3 =	sld [smem:$0x3FFC];
	_ =	sdelay $0x3  }
0x94: {  	_ =	strace s3  }
0x95: {  	s3 =	sld [smem:$0x3FFD];
	_ =	sdelay $0x3  }
0x96: {  	_ =	strace s3  }
0x97: {  	_ =	strace $0x8FFFFFFF  }
0x98: {  	s19 =	sld [smem:$0x3FDB];
	_ =	sdelay $0x1  }
0x99: {  	s4 =	simm.s32 $_scs_section_size  }
0x9a: {  	s5 =	simm.s32 $_size__tile_overlayer_lowered;
	s6 =	simm.s32 $_tile_overlayer_lowered  }
0x9b: {  	s22 =	simm.s32 $0x1BFF;
	s21 =	sshll.u32 s6, $0x1;
	s3 =	sadd.s32 s4, s19  }
0x9c: {  	s7 =	simm.s32 $0x0;
	s20 =	sshll.u32 s5, $0x1;
	s5 =	sadd.s32 s21, s3  }
0x9d: {  	[timem:s7], [sflag:s22] =	dma.local [hbm:s5], s20  }
0x9e: {  	_ =	swait.ge [sflag:s22], s20  }
0x9f: {  	s4 =	ssub.s32 $0x0, s20;
	[sflag:s22] =	ssyncset.done $0x0  }
0xa0: {  	[sflag:s22] =	ssyncadd.s32 s4;
	_ =	sdelay $0x1  }
0xa1: {  	s23 =	simm.s32 $0x1B8B  }
0xa2: {  	_ =	swait.ge [sflag:s23], $0x1  }
0xa3: {  	[sflag:s23] =	ssyncset.done $0x0  }
0xa4: {  	s25 =	simm.s32 $0x1B8E;
	s24 =	sld [smem:$0x3FFE];
	[sflag:s23] =	ssyncadd.s32 $0xFFFFFFFF  }
0xa5: {  	s26 =	simm.s32 $execute0_lowered;
	[smem:$0x3FD2] =	sst s25  }
0xa6: {  	s5 =	sshll.u32 s26, $0x1;
	_ =	strace $0x80000046;
	[dreg:$0x1] =	wrdreg $0xFFFFFFFF  }
0xa7: {  	s28 =	simm.s32 $_size_execute0_lowered;
	s3 =	sadd.s32 s3, s5;
	[dreg:$0x0] =	wrdreg $0x0  }
0xa8: {  	s5 =	sshll.u32 s28, $0x1;
	[dreg:$0x2] =	wrdreg s3  }
0xa9: {  	[dreg:$0x3] =	wrdreg s5  }
0xaa: {  	[dreg:$0x4] =	wrdreg $0xC0  }
0xab: {  	_ =	task [dreg:s7], $0x5FFFF  }
0xac: {  	[dreg:$0x1] =	wrdreg $0xFFFFFFFF  }
0xad: {  	[dreg:$0x0] =	wrdreg $0x60  }
0xae: {  	[dreg:$0x2] =	wrdreg s24  }
0xaf: {  	[dreg:$0x3] =	wrdreg s2  }
0xb0: {  	[dreg:$0x4] =	wrdreg $0x9  }
0xb1: {  	_ =	task.clear_ibuf [dreg:s7], $0x5FFFF;
	_ =	strace $0x90000046  }
0xb2: {  	s29 =	simm.s32 $0x9;
	_ =	strace $0x80000048  }
0xb3: {  	_ =	swait.ge [sflag:s29], $0x1  }
0xb4: {  	[sflag:s29] =	ssyncadd.s32 $0xFFFFFFFF  }
0xb5: {  	_ =	strace $0x90000048  }
0xb6: {  	_ =	sfence  }
0xb7: {  	s30 =	sld [smem:$0x0];
	_ =	sdelay $0x2  }
0xb8: {  	s31 =	sshll.u32 s1, $0xD;
	s1 =	sshrl.u32 s1, $0x2  }
0xb9: {  	s3 =	sand.u32 $0x4000, s31;
	s1 =	sadd.s32 s1, s30  }
0xba: {  	s0 =	sor.u32 s3, s0;
	s1 =	sshll.u32 s1, $0x11  }
0xbb: {  	s0 =	sor.u32 s1, s0  }
0xbc: {  	s0 =	sadd.s32 $0x8F2B, s0  }
0xbd: {  	[sflag:s0] =	ssyncadd.remote.s32 $0x1  }
0xbe: {  	_ =	sfence.sel $0xFFFF  }
0xbf: {  	[dreg:$0x0] =	wrdreg $0xFFFFFFFF;
	(pc) =	sbr.abs _section_cstart, $3  }
0xc0: {  	[dreg:$0x1] =	wrdreg $0xFFFFFFFF  }
0xc1: {  	_ =	task.clear_ibuf [dreg:s7], $0x2FFFF;
	_ =	strace $0x9FFFFFFF  }
0xc2: {  	(tm) =	ssettm $0x7FFFFFFF  }
0xc3: {  	_ =	shalt  }
tec
execute0_lowered:
.L_overlay_start_1:
0x0: {  	(tag) =	ssettag $0x1  }
0x1: {  	s1 =	srdreg.scid;
	s0 =	stileid.u32  }
0x2: {  	s6 =	sand.u32 $0x1, s1;
	s30 =	sshll.u32 s0, $0x1  }
0x3: {  	s5 =	rddreg [dreg:$0x0];
	s8 =	sor.u32 s6, s30  }
0x4: {  	s9 =	rddreg [dreg:$0x1];
	s2 =	simm.s32 $0x0;
	s3 =	smul.u32 $0x50, s8  }
0x5: {  	[smem:$0x7FF] =	sst s2  }
0x6: {  	s1 =	rddreg [dreg:$0x2];
	_ =	strace $0x80000047;
	s3 =	sadd.s32 s3, s5  }
0x7: {  	s10 =	ssub.s32 $0x2, s6;
	s4 =	sadd.s32 $0xC00, s3;
	s3 =	simm.s32 $0x2  }
0x8: {  	[tilespmem:s2], [sflag:$0x2] =	stream.linear.gather [hbm4b:s4+s2], $0x280, $0x38;
	[tilespmem:$0x5280] =	vst v63  }
0x9: {  	s7 =	simm.s32 $0x1;
	s11 =	sshrl.u32 s10, $0x1;
	_ =	swait.ge [sflag:s3], $0x280  }
0xa: {  	s6 =	simm.s32 $0x280;
	s10 =	ssub.s32 s10, s11;
	[sflag:s3] =	ssyncset.done $0x0  }
0xb: {  	s5 =	sadd.s32 $0x1600, s5;
	s31 =	smax.u32 s10, $0x1;
	[sflag:s3] =	ssyncadd.s32 $0xFFFFFD80  }
0xc: {  	[tilespmem:s6], [sflag:$0x1] =	stream.indirect.gather [hbm4b:s5+s6], $0x20, s2, s6, $0xb8;
	[tilespmem:$0x5280] =	vst v63  }
0xd: {  	s8 =	smul.u32 $0xA00, s8;
	p0 =	sne.s32 s31, $0x1;
	_ =	swait.ge [sflag:s7], $0x5000  }
.Ltmp0:
0xe: {  	[sflag:s7] =	ssyncset.done $0x0;
	(pc) =	sbr.rel @!p0 .LBB2_2-.Ltmp0, $4  }
0xf: {  	s8 =	sadd.s32 s9, s8;
	[sflag:s7] =	ssyncadd.s32 $0xFFFFB000  }
0x10: {  	[hbm4b:s8+s2] =	stream.linear.scatter [tilespmem:s6], [sflag:$0x2], $0x5000, $0x38;
	[tilespmem:$0x5280] =	vst v63  }
0x11: {  	_ =	swait.ge [sflag:s3], $0x5000  }
0x12: {  	s9 =	sadd.s32 $0xFFFFFFFF, s31;
	[sflag:s3] =	ssyncset.done $0x0  }
.LBB2_1:
0x13: {  	p0 =	sne.s32 s9, $0x1;
	s9 =	sadd.s32 $0xFFFFFFFF, s9;
	[sflag:s3] =	ssyncadd.s32 $0xFFFFB000  }
0x14: {  	[tilespmem:s2], [sflag:$0x2] =	stream.linear.gather [hbm4b:s4+s2], $0x280, $0x38;
	[tilespmem:$0x5280] =	vst v63  }
0x15: {  	_ =	swait.ge [sflag:s3], $0x280  }
0x16: {  	[sflag:s3] =	ssyncset.done $0x0  }
0x17: {  	[sflag:s3] =	ssyncadd.s32 $0xFFFFFD80  }
0x18: {  	[tilespmem:s6], [sflag:$0x1] =	stream.indirect.gather [hbm4b:s5+s6], $0x20, s2, s6, $0xb8;
	[tilespmem:$0x5280] =	vst v63  }
0x19: {  	_ =	swait.ge [sflag:s7], $0x5000  }
.Ltmp1:
0x1a: {  	[sflag:s7] =	ssyncset.done $0x0;
	(pc) =	sbr.rel @p0 .LBB2_1-.Ltmp1, $4  }
0x1b: {  	[sflag:s7] =	ssyncadd.s32 $0xFFFFB000  }
0x1c: {  	[hbm4b:s8+s2] =	stream.linear.scatter [tilespmem:s6], [sflag:$0x2], $0x5000, $0x38;
	[tilespmem:$0x5280] =	vst v63  }
0x1d: {  	_ =	swait.ge [sflag:s3], $0x5000  }
0x1e: {  	[sflag:s3] =	ssyncset.done $0x0  }
.LBB2_2:
0x1f: {  	[sflag:s3] =	ssyncadd.s32 $0xFFFFB000  }
0x20: {  	_ =	sfence.sel $0x180000  }
0x21: {  	[bflag:$0x0] =	sbarrier.arrive $0xFFFF  }
0x22: {  	p0 =	sne.s32 s0, $0x0;
	_ =	strace $0x90000047  }
0x23: {  	s0 =	sadd.s32 @!p0 $0x100000, s1;
	[bflag:$0x2] =	sbarrier.arrive $0xFFFF  }
0x24: {  	[sflag:s0] =	ssyncadd.tile.s32 @!p0 $0x1;
	_ =	shalt  }
.Lfunc_end2:
_tile_overlayer_lowered:
.L_overlay_start_2:
0x25: {  	(tag) =	ssettag $0x2  }
0x26: {  	s0 =	rddreg [dreg:$0x0];
	s2 =	stileid.u32  }
0x27: {  	s1 =	rddreg [dreg:$0x1];
	p0 =	sne.s32 s2, $0x0  }
0x28: {  	s3 =	rddreg [dreg:$0x2];
	[bflag:$0x3] =	sbarrier.arrive $0xFFFF;
	s2 =	simm.s32 @!p0 $0x1C02  }
0x29: {  	[timem:s3], [sflag:s2] =	dma.local @!p0 [hbm:s0], s1  }
0x2a: {  	s0 =	simm.s32 @!p0 $0x2  }
0x2b: {  	_ =	swait.ge @!p0 [sflag:s0], s1  }
0x2c: {  	s1 =	ssub.s32 @!p0 $0x0, s1;
	[sflag:s0] =	ssyncset.done @!p0 $0x0  }
0x2d: {  	[sflag:s0] =	ssyncadd.s32 @!p0 s1  }
0x2e: {  	[bflag:$0x3] =	sbarrier.arrive $0xFFFF  }
0x2f: {  	_ =	shalt  }

</sc_bundles>
